<compile_context>
chip_gen: v7x
topology: tpu7x:2x2x1
jax: 0.10.2.dev20260603
libtpu: 0.0.44.dev20260713+nightly
codegen_flags: <defaults>
</compile_context>

<pallas_src>
import functools

import jax
import jax.numpy as jnp
from jax.experimental import pallas as pl
from jax.experimental.pallas import tpu as pltpu
from jax.experimental.pallas import tpu_sc as plsc

ALIGN = 8
BT = 64
RBLK = 128
EPP = 2


def _dot_t(a, b):
    return jax.lax.dot_general(
        a, b, (((1,), (1,)), ((), ())), preferred_element_type=jnp.float32
    )


def _dot(a, b):
    return jax.lax.dot_general(
        a, b, (((1,), (0,)), ((), ())), preferred_element_type=jnp.float32
    )


def _gelu(x):
    return x * 0.5 * (1.0 + jax.lax.erf(x * 0.7071067811865476))


def _front_kernel(pbuf, x_ref, wg_ref, bg_ref, ws1_ref, bs1_ref, ws2_ref,
                  bs2_ref, pos_ref, posg_ref, po_ref, cnt_ref, sh_ref):
    T = x_ref.shape[0]
    E = wg_ref.shape[0]
    x = x_ref[...]

    logits = _dot_t(x, wg_ref[...]) + bg_ref[...]
    m = jnp.max(logits, axis=1, keepdims=True)
    cols = jax.lax.broadcasted_iota(jnp.int32, logits.shape, 1)
    eid = jnp.min(jnp.where(logits == m, cols, E), axis=1)
    ohf = (cols == eid[:, None]).astype(jnp.float32)

    counts = jnp.sum(ohf, axis=0)
    pc = jnp.floor((counts + (ALIGN - 1)) / ALIGN) * ALIGN
    er = jax.lax.broadcasted_iota(jnp.int32, (E, E), 0)
    ec = jax.lax.broadcasted_iota(jnp.int32, (E, E), 1)
    po = jnp.sum(jnp.where(ec < er, pc[None, :], 0.0), axis=1)

    li = jax.lax.broadcasted_iota(jnp.int32, (RBLK, RBLK), 0)
    lj = jax.lax.broadcasted_iota(jnp.int32, (RBLK, RBLK), 1)
    lower = jnp.where(lj < li, 1.0, 0.0)
    prefix = jnp.zeros((1, E), jnp.float32)
    for b in range(T // RBLK):
        ohb = jax.lax.slice(ohf, (b * RBLK, 0), ((b + 1) * RBLK, E))
        excl = _dot(lower, ohb)
        slot = jnp.sum((excl + prefix + po[None, :]) * ohb, axis=1)
        pos_ref[0, pl.ds(b * RBLK, RBLK)] = slot.astype(jnp.int32)
        hi = jnp.sum(jax.lax.slice(ohb, (0, E // 2), (RBLK, E)), axis=1)
        posg_ref[0, pl.ds(b * RBLK, RBLK)] = (
            slot + pbuf * hi).astype(jnp.int32)
        prefix = prefix + jnp.sum(ohb, axis=0, keepdims=True)
    po_ref[...] = po[None, :].astype(jnp.int32)
    cnt_ref[...] = counts[None, :].astype(jnp.int32)

    h = _gelu(_dot_t(x, ws1_ref[...]) + bs1_ref[...])
    sh_ref[...] = _dot_t(h, ws2_ref[...]) + bs2_ref[...]


def _sc_mesh():
    return plsc.VectorSubcoreMesh(core_axis_name="c", subcore_axis_name="s")


def _sc_workers():
    info = plsc.get_sparse_core_info()
    return info.num_cores, info.num_subcores


def _sc_dispatch(xa, xb, idx, nrows_out):
    n, d = xa.shape
    nc, ns = _sc_workers()
    chunk = n // (nc * ns)
    out_t = jax.ShapeDtypeStruct((nrows_out, d), xa.dtype)

    @functools.partial(
        pl.kernel,
        mesh=_sc_mesh(),
        out_type=(out_t, out_t),
        scratch_types=[
            pltpu.VMEM((chunk,), jnp.int32),
            pltpu.VMEM((chunk, d), xa.dtype),
            pltpu.SemaphoreType.DMA,
        ],
    )
    def kern(a_hbm, b_hbm, i_hbm, oa_hbm, ob_hbm, idx_v, rows_v, sem):
        wid = jax.lax.axis_index("s") * nc + jax.lax.axis_index("c")
        base = wid * chunk
        pltpu.sync_copy(i_hbm.at[pl.ds(base, chunk)], idx_v)
        pltpu.sync_copy(a_hbm.at[pl.ds(base, chunk)], rows_v)
        pltpu.async_copy(rows_v, oa_hbm.at[idx_v], sem).wait()
        pltpu.sync_copy(b_hbm.at[pl.ds(base, chunk)], rows_v)
        pltpu.async_copy(rows_v, ob_hbm.at[idx_v], sem).wait()

    return kern(xa, xb, idx)


def _sc_gather_rows(src, idx):
    n = idx.shape[0]
    d = src.shape[1]
    nc, ns = _sc_workers()
    chunk = n // (nc * ns)

    @functools.partial(
        pl.kernel,
        mesh=_sc_mesh(),
        out_type=jax.ShapeDtypeStruct((n, d), src.dtype),
        scratch_types=[
            pltpu.VMEM((chunk,), jnp.int32),
            pltpu.VMEM((chunk, d), src.dtype),
            pltpu.SemaphoreType.DMA,
        ],
    )
    def kern(x_hbm, i_hbm, o_hbm, idx_v, rows_v, sem):
        wid = jax.lax.axis_index("s") * nc + jax.lax.axis_index("c")
        base = wid * chunk
        pltpu.sync_copy(i_hbm.at[pl.ds(base, chunk)], idx_v)
        pltpu.async_copy(x_hbm.at[idx_v], rows_v, sem).wait()
        pltpu.sync_copy(rows_v, o_hbm.at[pl.ds(base, chunk)])

    return kern(src, idx)


def _expert_kernel(po_ref, cnt_ref, xs_ref, init_ref, w1_ref, b1_ref,
                   w2_ref, b2_ref, out_ref):
    for s in range(EPP):
        e = pl.program_id(0) * EPP + s
        start = po_ref[e]
        cnt = cnt_ref[e]
        nt = (cnt + BT - 1) // BT
        w1 = w1_ref[s]
        w2 = w2_ref[s]
        b1 = b1_ref[s]
        b2 = b2_ref[s]

        def body(t, _, start=start, w1=w1, w2=w2, b1=b1, b2=b2):
            base = pl.multiple_of(start + t * BT, ALIGN)
            xt = xs_ref[pl.ds(base, BT), :]
            h = _gelu(_dot_t(xt, w1) + b1)
            out_ref[pl.ds(base, BT), :] = (
                _dot_t(h, w2) + b2 + init_ref[pl.ds(base, BT), :])
            return 0

        jax.lax.fori_loop(0, nt, body, 0)


def kernel(x, Wg, bg, W1, b1, W2, b2, Ws1, bs1, Ws2, bs2):
    T, D = x.shape
    E, H = b1.shape
    PBUF = ((T + E * (ALIGN - 1) + BT + BT - 1) // BT) * BT

    pos2, posg2, po2, cnt2, shared = pl.pallas_call(
        functools.partial(_front_kernel, PBUF),
        out_shape=(
            jax.ShapeDtypeStruct((1, T), jnp.int32),
            jax.ShapeDtypeStruct((1, T), jnp.int32),
            jax.ShapeDtypeStruct((1, E), jnp.int32),
            jax.ShapeDtypeStruct((1, E), jnp.int32),
            jax.ShapeDtypeStruct((T, D), jnp.float32),
        ),
        in_specs=[
            pl.BlockSpec((T, D), lambda: (0, 0)),
            pl.BlockSpec((E, D), lambda: (0, 0)),
            pl.BlockSpec((1, E), lambda: (0, 0)),
            pl.BlockSpec((H, D), lambda: (0, 0)),
            pl.BlockSpec((1, H), lambda: (0, 0)),
            pl.BlockSpec((D, H), lambda: (0, 0)),
            pl.BlockSpec((1, D), lambda: (0, 0)),
        ],
        out_specs=(
            pl.BlockSpec((1, T), lambda: (0, 0)),
            pl.BlockSpec((1, T), lambda: (0, 0)),
            pl.BlockSpec((1, E), lambda: (0, 0)),
            pl.BlockSpec((1, E), lambda: (0, 0)),
            pl.BlockSpec((T, D), lambda: (0, 0)),
        ),
    )(x, Wg, bg.reshape(1, E), Ws1, bs1.reshape(1, H), Ws2, bs2.reshape(1, D))
    pos = pos2[0]
    posg = posg2[0]
    po = po2[0]
    counts = cnt2[0]

    xs, init = _sc_dispatch(x, shared, pos, PBUF)

    grid_spec = pltpu.PrefetchScalarGridSpec(
        num_scalar_prefetch=2,
        grid=(E // EPP,),
        in_specs=[
            pl.BlockSpec((PBUF, D), lambda e, po_, c_: (0, 0)),
            pl.BlockSpec((PBUF, D), lambda e, po_, c_: (0, 0)),
            pl.BlockSpec((EPP, H, D), lambda e, po_, c_: (e, 0, 0)),
            pl.BlockSpec((EPP, 1, H), lambda e, po_, c_: (e, 0, 0)),
            pl.BlockSpec((EPP, D, H), lambda e, po_, c_: (e, 0, 0)),
            pl.BlockSpec((EPP, 1, D), lambda e, po_, c_: (e, 0, 0)),
        ],
        out_specs=pl.BlockSpec((PBUF, D), lambda e, po_, c_: (0, 0)),
    )
    ys = pl.pallas_call(
        _expert_kernel,
        grid_spec=grid_spec,
        out_shape=jax.ShapeDtypeStruct((PBUF, D), jnp.float32),
    )(po, counts, xs, init, W1, b1.reshape(E, 1, H), W2, b2.reshape(E, 1, D))

    return _sc_gather_rows(ys, pos)

# --- scband reference (transcript-rebuilt; emitter-appended) ---
"""Pipeline reference for scband-sparse-mo-e-65721589563853 (READ-ONLY COPY).

The authoritative reference and input builder live on the scoring server;
editing this copy changes nothing except your own understanding.
"""

import jax, jax.numpy as jnp
import numpy as np

T = 2048
D = 768
H = 768
E = 64
K = 1


def setup_inputs(seed: int = 0) -> dict:
    key = jax.random.key(seed)
    ks = jax.random.split(key, 8)
    sc = 0.02
    inp = {
        "x": jax.random.normal(ks[0], (T, D), dtype=jnp.float32),
        # gate (nn.Linear: weight [E, D], bias [E])
        "Wg": jax.random.normal(ks[1], (E, D), dtype=jnp.float32) * sc,
        "bg": jnp.zeros((E,), dtype=jnp.float32),
        # stacked expert params (weight layout like torch Linear: [out, in])
        "W1": jax.random.normal(ks[2], (E, H, D), dtype=jnp.float32) * sc,
        "b1": jnp.zeros((E, H), dtype=jnp.float32),
        "W2": jax.random.normal(ks[3], (E, D, H), dtype=jnp.float32) * sc,
        "b2": jnp.zeros((E, D), dtype=jnp.float32),
        # shared expert
        "Ws1": jax.random.normal(ks[4], (H, D), dtype=jnp.float32) * sc,
        "bs1": jnp.zeros((H,), dtype=jnp.float32),
        "Ws2": jax.random.normal(ks[5], (D, H), dtype=jnp.float32) * sc,
        "bs2": jnp.zeros((D,), dtype=jnp.float32),
    }
    return inp


def reference(x, Wg, bg, W1, b1, W2, b2, Ws1, bs1, Ws2, bs2):
    # gate
    gate_logits = x @ Wg.T + bg  # [T, E]
    # top-k routing (torch.topk -> lax.top_k)
    topv, topi = jax.lax.top_k(gate_logits, K)  # [T, K]
    weights = jax.nn.softmax(topv.astype(jnp.float32), axis=1).astype(x.dtype)  # [T, K]
    results = jnp.zeros_like(x)
    for i in range(E):
        # combine weight for expert i per token (0 if token not routed to i)
        mask = (topi == i)  # [T, K]
        wi = jnp.sum(jnp.where(mask, weights, jnp.zeros_like(weights)), axis=1)  # [T]
        h = jax.nn.gelu(x @ W1[i].T + b1[i], approximate=False)
        out_i = h @ W2[i].T + b2[i]  # [T, D]
        results = results + wi[:, None] * out_i
    # shared expert
    hs = jax.nn.gelu(x @ Ws1.T + bs1, approximate=False)
    results = results + (hs @ Ws2.T + bs2)
    return results

if __name__ == "__main__":
    import jax
    _d = setup_inputs()
    print(jax.jit(kernel)(*tuple(_d.values())))

</pallas_src>

<mosaic_0001>
#map = affine_map<(d0, d1) -> (0, 0)>
#map1 = affine_map<(d0, d1) -> (0)>
module attributes {stable_mosaic.version = 14 : i64} {
  func.func @kern(%arg0: i32, %arg1: i32, %arg2: memref<2048x768xf32, #tpu.memory_space<hbm>>, %arg3: memref<2048x768xf32, #tpu.memory_space<hbm>>, %arg4: memref<2048xi32, #tpu.memory_space<hbm>>, %arg5: memref<2560x768xf32, #tpu.memory_space<hbm>>, %arg6: memref<2560x768xf32, #tpu.memory_space<hbm>>, %arg7: memref<64xi32, #tpu.memory_space<vmem>>, %arg8: memref<64x768xf32, #tpu.memory_space<vmem>>, %arg9: memref<!tpu.dma_semaphore, #tpu.memory_space<semaphore_mem>>) attributes {dimension_semantics = [#tpu.dimension_semantics<core_parallel>, #tpu.dimension_semantics<subcore_parallel>], iteration_bounds = array<i64: 2, 16>, scalar_prefetch = 0 : i64, scratch_operands = 3 : i64, tpu.core_type = #tpu.core_type<sc_vector_subcore>, window_params = [{transform_indices = #map}, {transform_indices = #map}, {transform_indices = #map1}, {transform_indices = #map}, {transform_indices = #map}]} {
    %mul3A = arith.constant 2 : i32
    %mul3A_0 = arith.muli %arg1, %mul3A : i32
    %add3A = arith.addi %mul3A_0, %arg0 : i32
    %mul3A_1 = arith.constant 64 : i32
    %mul3A_2 = arith.muli %add3A, %mul3A_1 : i32
    "tpu.region"() ({
      %run_scoped3A = tpu.sem_alloc : memref<!tpu.dma_semaphore, #tpu.memory_space<semaphore_mem>>
      %dma_start3A_13 = tpu.memref_slice %arg4[%mul3A_2] : memref<2048xi32, #tpu.memory_space<hbm>> -> memref<64xi32, #tpu.memory_space<hbm>>
      %dma_start3A_14 = tpu.memref_slice %arg4[%mul3A_2] : memref<2048xi32, #tpu.memory_space<hbm>> -> memref<64xi32, #tpu.memory_space<hbm>>
      tpu.enqueue_dma source(%dma_start3A_14 : memref<64xi32, #tpu.memory_space<hbm>>) target(%arg7 : memref<64xi32, #tpu.memory_space<vmem>>) target_semaphore(%run_scoped3A : memref<!tpu.dma_semaphore, #tpu.memory_space<semaphore_mem>>)
      %dma_wait3A_15 = tpu.memref_slice %arg4[%mul3A_2] : memref<2048xi32, #tpu.memory_space<hbm>> -> memref<64xi32, #tpu.memory_space<hbm>>
      %dma_wait3A_16 = tpu.memref_slice %arg4[%mul3A_2] : memref<2048xi32, #tpu.memory_space<hbm>> -> memref<64xi32, #tpu.memory_space<hbm>>
      tpu.wait_dma2 semaphore(%run_scoped3A : memref<!tpu.dma_semaphore, #tpu.memory_space<semaphore_mem>>) src(%dma_wait3A_16 : memref<64xi32, #tpu.memory_space<hbm>>) dst(%arg7 : memref<64xi32, #tpu.memory_space<vmem>>)
      tpu.yield
    }) : () -> ()
    "tpu.region"() ({
      %run_scoped3A = tpu.sem_alloc : memref<!tpu.dma_semaphore, #tpu.memory_space<semaphore_mem>>
      %dma_start3A_13 = arith.constant 0 : i32
      %dma_start3A_14 = tpu.memref_slice %arg2[%mul3A_2, %dma_start3A_13] : memref<2048x768xf32, #tpu.memory_space<hbm>> -> memref<64x768xf32, #tpu.memory_space<hbm>>
      %dma_start3A_15 = arith.constant 0 : i32
      %dma_start3A_16 = tpu.memref_slice %arg2[%mul3A_2, %dma_start3A_15] : memref<2048x768xf32, #tpu.memory_space<hbm>> -> memref<64x768xf32, #tpu.memory_space<hbm>>
      tpu.enqueue_dma source(%dma_start3A_16 : memref<64x768xf32, #tpu.memory_space<hbm>>) target(%arg8 : memref<64x768xf32, #tpu.memory_space<vmem>>) target_semaphore(%run_scoped3A : memref<!tpu.dma_semaphore, #tpu.memory_space<semaphore_mem>>)
      %dma_wait3A_17 = arith.constant 0 : i32
      %dma_wait3A_18 = tpu.memref_slice %arg2[%mul3A_2, %dma_wait3A_17] : memref<2048x768xf32, #tpu.memory_space<hbm>> -> memref<64x768xf32, #tpu.memory_space<hbm>>
      %dma_wait3A_19 = arith.constant 0 : i32
      %dma_wait3A_20 = tpu.memref_slice %arg2[%mul3A_2, %dma_wait3A_19] : memref<2048x768xf32, #tpu.memory_space<hbm>> -> memref<64x768xf32, #tpu.memory_space<hbm>>
      tpu.wait_dma2 semaphore(%run_scoped3A : memref<!tpu.dma_semaphore, #tpu.memory_space<semaphore_mem>>) src(%dma_wait3A_20 : memref<64x768xf32, #tpu.memory_space<hbm>>) dst(%arg8 : memref<64x768xf32, #tpu.memory_space<vmem>>)
      tpu.yield
    }) : () -> ()
    %dma_start3A = arith.constant 0 : i32
    %dma_start3A_3 = arith.constant 0 : i32
    %dma_start3A_4 = tpu.memref_slice %arg5[%dma_start3A, %dma_start3A_3] : memref<2560x768xf32, #tpu.memory_space<hbm>> -> memref<2560x768xf32, #tpu.memory_space<hbm>>
    tpu.enqueue_indirect_dma source(%arg8 : memref<64x768xf32, #tpu.memory_space<vmem>>) target(%dma_start3A_4 : memref<2560x768xf32, #tpu.memory_space<hbm>>) offsets(%arg7 : memref<64xi32, #tpu.memory_space<vmem>>) semaphore(%arg9 : memref<!tpu.dma_semaphore, #tpu.memory_space<semaphore_mem>>)
    %dma_wait3A = arith.constant 0 : i32
    %dma_wait3A_5 = arith.constant 0 : i32
    %dma_wait3A_6 = tpu.memref_slice %arg5[%dma_wait3A, %dma_wait3A_5] : memref<2560x768xf32, #tpu.memory_space<hbm>> -> memref<2560x768xf32, #tpu.memory_space<hbm>>
    tpu.wait_indirect_dma semaphore(%arg9 : memref<!tpu.dma_semaphore, #tpu.memory_space<semaphore_mem>>) src(%arg8 : memref<64x768xf32, #tpu.memory_space<vmem>>) dst(%dma_wait3A_6 : memref<2560x768xf32, #tpu.memory_space<hbm>>)
    "tpu.region"() ({
      %run_scoped3A = tpu.sem_alloc : memref<!tpu.dma_semaphore, #tpu.memory_space<semaphore_mem>>
      %dma_start3A_13 = arith.constant 0 : i32
      %dma_start3A_14 = tpu.memref_slice %arg3[%mul3A_2, %dma_start3A_13] : memref<2048x768xf32, #tpu.memory_space<hbm>> -> memref<64x768xf32, #tpu.memory_space<hbm>>
      %dma_start3A_15 = arith.constant 0 : i32
      %dma_start3A_16 = tpu.memref_slice %arg3[%mul3A_2, %dma_start3A_15] : memref<2048x768xf32, #tpu.memory_space<hbm>> -> memref<64x768xf32, #tpu.memory_space<hbm>>
      tpu.enqueue_dma source(%dma_start3A_16 : memref<64x768xf32, #tpu.memory_space<hbm>>) target(%arg8 : memref<64x768xf32, #tpu.memory_space<vmem>>) target_semaphore(%run_scoped3A : memref<!tpu.dma_semaphore, #tpu.memory_space<semaphore_mem>>)
      %dma_wait3A_17 = arith.constant 0 : i32
      %dma_wait3A_18 = tpu.memref_slice %arg3[%mul3A_2, %dma_wait3A_17] : memref<2048x768xf32, #tpu.memory_space<hbm>> -> memref<64x768xf32, #tpu.memory_space<hbm>>
      %dma_wait3A_19 = arith.constant 0 : i32
      %dma_wait3A_20 = tpu.memref_slice %arg3[%mul3A_2, %dma_wait3A_19] : memref<2048x768xf32, #tpu.memory_space<hbm>> -> memref<64x768xf32, #tpu.memory_space<hbm>>
      tpu.wait_dma2 semaphore(%run_scoped3A : memref<!tpu.dma_semaphore, #tpu.memory_space<semaphore_mem>>) src(%dma_wait3A_20 : memref<64x768xf32, #tpu.memory_space<hbm>>) dst(%arg8 : memref<64x768xf32, #tpu.memory_space<vmem>>)
      tpu.yield
    }) : () -> ()
    %dma_start3A_7 = arith.constant 0 : i32
    %dma_start3A_8 = arith.constant 0 : i32
    %dma_start3A_9 = tpu.memref_slice %arg6[%dma_start3A_7, %dma_start3A_8] : memref<2560x768xf32, #tpu.memory_space<hbm>> -> memref<2560x768xf32, #tpu.memory_space<hbm>>
    tpu.enqueue_indirect_dma source(%arg8 : memref<64x768xf32, #tpu.memory_space<vmem>>) target(%dma_start3A_9 : memref<2560x768xf32, #tpu.memory_space<hbm>>) offsets(%arg7 : memref<64xi32, #tpu.memory_space<vmem>>) semaphore(%arg9 : memref<!tpu.dma_semaphore, #tpu.memory_space<semaphore_mem>>)
    %dma_wait3A_10 = arith.constant 0 : i32
    %dma_wait3A_11 = arith.constant 0 : i32
    %dma_wait3A_12 = tpu.memref_slice %arg6[%dma_wait3A_10, %dma_wait3A_11] : memref<2560x768xf32, #tpu.memory_space<hbm>> -> memref<2560x768xf32, #tpu.memory_space<hbm>>
    tpu.wait_indirect_dma semaphore(%arg9 : memref<!tpu.dma_semaphore, #tpu.memory_space<semaphore_mem>>) src(%arg8 : memref<64x768xf32, #tpu.memory_space<vmem>>) dst(%dma_wait3A_12 : memref<2560x768xf32, #tpu.memory_space<hbm>>)
    return
  }
}

#map = affine_map<(d0, d1) -> (0, 0)>
#map1 = affine_map<(d0, d1) -> (0)>
module attributes {stable_mosaic.version = 14 : i64} {
  func.func @kern(%arg0: i32, %arg1: i32, %arg2: memref<2560x768xf32, #tpu.memory_space<hbm>>, %arg3: memref<2048xi32, #tpu.memory_space<hbm>>, %arg4: memref<2048x768xf32, #tpu.memory_space<hbm>>, %arg5: memref<64xi32, #tpu.memory_space<vmem>>, %arg6: memref<64x768xf32, #tpu.memory_space<vmem>>, %arg7: memref<!tpu.dma_semaphore, #tpu.memory_space<semaphore_mem>>) attributes {dimension_semantics = [#tpu.dimension_semantics<core_parallel>, #tpu.dimension_semantics<subcore_parallel>], iteration_bounds = array<i64: 2, 16>, scalar_prefetch = 0 : i64, scratch_operands = 3 : i64, tpu.core_type = #tpu.core_type<sc_vector_subcore>, window_params = [{transform_indices = #map}, {transform_indices = #map1}, {transform_indices = #map}]} {
    %mul3A = arith.constant 2 : i32
    %mul3A_0 = arith.muli %arg1, %mul3A : i32
    %add3A = arith.addi %mul3A_0, %arg0 : i32
    %mul3A_1 = arith.constant 64 : i32
    %mul3A_2 = arith.muli %add3A, %mul3A_1 : i32
    "tpu.region"() ({
      %run_scoped3A = tpu.sem_alloc : memref<!tpu.dma_semaphore, #tpu.memory_space<semaphore_mem>>
      %dma_start3A_7 = tpu.memref_slice %arg3[%mul3A_2] : memref<2048xi32, #tpu.memory_space<hbm>> -> memref<64xi32, #tpu.memory_space<hbm>>
      %dma_start3A_8 = tpu.memref_slice %arg3[%mul3A_2] : memref<2048xi32, #tpu.memory_space<hbm>> -> memref<64xi32, #tpu.memory_space<hbm>>
      tpu.enqueue_dma source(%dma_start3A_8 : memref<64xi32, #tpu.memory_space<hbm>>) target(%arg5 : memref<64xi32, #tpu.memory_space<vmem>>) target_semaphore(%run_scoped3A : memref<!tpu.dma_semaphore, #tpu.memory_space<semaphore_mem>>)
      %dma_wait3A_9 = tpu.memref_slice %arg3[%mul3A_2] : memref<2048xi32, #tpu.memory_space<hbm>> -> memref<64xi32, #tpu.memory_space<hbm>>
      %dma_wait3A_10 = tpu.memref_slice %arg3[%mul3A_2] : memref<2048xi32, #tpu.memory_space<hbm>> -> memref<64xi32, #tpu.memory_space<hbm>>
      tpu.wait_dma2 semaphore(%run_scoped3A : memref<!tpu.dma_semaphore, #tpu.memory_space<semaphore_mem>>) src(%dma_wait3A_10 : memref<64xi32, #tpu.memory_space<hbm>>) dst(%arg5 : memref<64xi32, #tpu.memory_space<vmem>>)
      tpu.yield
    }) : () -> ()
    %dma_start3A = arith.constant 0 : i32
    %dma_start3A_3 = arith.constant 0 : i32
    %dma_start3A_4 = tpu.memref_slice %arg2[%dma_start3A, %dma_start3A_3] : memref<2560x768xf32, #tpu.memory_space<hbm>> -> memref<2560x768xf32, #tpu.memory_space<hbm>>
    tpu.enqueue_indirect_dma source(%dma_start3A_4 : memref<2560x768xf32, #tpu.memory_space<hbm>>) target(%arg6 : memref<64x768xf32, #tpu.memory_space<vmem>>) offsets(%arg5 : memref<64xi32, #tpu.memory_space<vmem>>) semaphore(%arg7 : memref<!tpu.dma_semaphore, #tpu.memory_space<semaphore_mem>>)
    %dma_wait3A = arith.constant 0 : i32
    %dma_wait3A_5 = arith.constant 0 : i32
    %dma_wait3A_6 = tpu.memref_slice %arg2[%dma_wait3A, %dma_wait3A_5] : memref<2560x768xf32, #tpu.memory_space<hbm>> -> memref<2560x768xf32, #tpu.memory_space<hbm>>
    tpu.wait_indirect_dma semaphore(%arg7 : memref<!tpu.dma_semaphore, #tpu.memory_space<semaphore_mem>>) src(%dma_wait3A_6 : memref<2560x768xf32, #tpu.memory_space<hbm>>) dst(%arg6 : memref<64x768xf32, #tpu.memory_space<vmem>>)
    "tpu.region"() ({
      %run_scoped3A = tpu.sem_alloc : memref<!tpu.dma_semaphore, #tpu.memory_space<semaphore_mem>>
      %dma_start3A_7 = arith.constant 0 : i32
      %dma_start3A_8 = tpu.memref_slice %arg4[%mul3A_2, %dma_start3A_7] : memref<2048x768xf32, #tpu.memory_space<hbm>> -> memref<64x768xf32, #tpu.memory_space<hbm>>
      %dma_start3A_9 = arith.constant 0 : i32
      %dma_start3A_10 = tpu.memref_slice %arg4[%mul3A_2, %dma_start3A_9] : memref<2048x768xf32, #tpu.memory_space<hbm>> -> memref<64x768xf32, #tpu.memory_space<hbm>>
      tpu.enqueue_dma source(%arg6 : memref<64x768xf32, #tpu.memory_space<vmem>>) target(%dma_start3A_10 : memref<64x768xf32, #tpu.memory_space<hbm>>) target_semaphore(%run_scoped3A : memref<!tpu.dma_semaphore, #tpu.memory_space<semaphore_mem>>)
      %dma_wait3A_11 = arith.constant 0 : i32
      %dma_wait3A_12 = tpu.memref_slice %arg4[%mul3A_2, %dma_wait3A_11] : memref<2048x768xf32, #tpu.memory_space<hbm>> -> memref<64x768xf32, #tpu.memory_space<hbm>>
      %dma_wait3A_13 = arith.constant 0 : i32
      %dma_wait3A_14 = tpu.memref_slice %arg4[%mul3A_2, %dma_wait3A_13] : memref<2048x768xf32, #tpu.memory_space<hbm>> -> memref<64x768xf32, #tpu.memory_space<hbm>>
      tpu.wait_dma2 semaphore(%run_scoped3A : memref<!tpu.dma_semaphore, #tpu.memory_space<semaphore_mem>>) src(%arg6 : memref<64x768xf32, #tpu.memory_space<vmem>>) dst(%dma_wait3A_14 : memref<64x768xf32, #tpu.memory_space<hbm>>)
      tpu.yield
    }) : () -> ()
    return
  }
}

module attributes {stable_mosaic.version = 14 : i64} {
  func.func @_expert_kernel(%arg0: i32, %arg1: memref<64xi32, #tpu.memory_space<smem>>, %arg2: memref<64xi32, #tpu.memory_space<smem>>, %arg3: memref<2560x768xf32, #tpu.memory_space<vmem>>, %arg4: memref<2560x768xf32, #tpu.memory_space<vmem>>, %arg5: memref<2x768x768xf32, #tpu.memory_space<vmem>>, %arg6: memref<2x1x768xf32, #tpu.memory_space<vmem>>, %arg7: memref<2x768x768xf32, #tpu.memory_space<vmem>>, %arg8: memref<2x1x768xf32, #tpu.memory_space<vmem>>, %arg9: memref<2560x768xf32, #tpu.memory_space<vmem>>) attributes {dimension_semantics = [#tpu.dimension_semantics<arbitrary>], iteration_bounds = array<i64: 32>, scalar_prefetch = 2 : i64, scratch_operands = 0 : i64, tpu.core_type = #tpu.core_type<tc>, window_params = [{pipeline_mode = #tpu.pipeline_mode<synchronous>, transform_indices = @transform_0, window_bounds = array<i64: 2560, 768>}, {pipeline_mode = #tpu.pipeline_mode<synchronous>, transform_indices = @transform_1, window_bounds = array<i64: 2560, 768>}, {transform_indices = @transform_2, window_bounds = array<i64: 2, 768, 768>}, {transform_indices = @transform_3, window_bounds = array<i64: 2, 1, 768>}, {transform_indices = @transform_4, window_bounds = array<i64: 2, 768, 768>}, {transform_indices = @transform_5, window_bounds = array<i64: 2, 1, 768>}, {pipeline_mode = #tpu.pipeline_mode<synchronous>, transform_indices = @transform_6, window_bounds = array<i64: 2560, 768>}]} {
    %mul3A = arith.constant 2 : i32
    %mul3A_0 = arith.muli %arg0, %mul3A : i32
    %add3A = arith.constant 0 : i32
    %add3A_1 = arith.addi %mul3A_0, %add3A : i32
    %get3A = arith.index_cast %add3A_1 : i32 to index
    %get3A_2 = memref.load %arg1[%get3A] : memref<64xi32, #tpu.memory_space<smem>>
    %get3A_3 = arith.index_cast %add3A_1 : i32 to index
    %get3A_4 = memref.load %arg2[%get3A_3] : memref<64xi32, #tpu.memory_space<smem>>
    %add3A_5 = arith.constant 64 : i32
    %add3A_6 = arith.addi %get3A_4, %add3A_5 : i32
    %sub3A = arith.constant 1 : i32
    %sub3A_7 = arith.subi %add3A_6, %sub3A : i32
    %jit3A = arith.constant 64 : i32
    %div3A = arith.divsi %sub3A_7, %jit3A : i32
    %sign3A = arith.constant 0 : i32
    %sign3A_8 = arith.cmpi sgt, %sub3A_7, %sign3A : i32
    %sign3A_9 = arith.extui %sign3A_8 : i1 to i32
    %sign3A_10 = arith.constant 0 : i32
    %sign3A_11 = arith.cmpi slt, %sub3A_7, %sign3A_10 : i32
    %sign3A_12 = arith.extui %sign3A_11 : i1 to i32
    %sign3A_13 = arith.subi %sign3A_9, %sign3A_12 : i32
    %sign3A_14 = arith.constant 0 : i32
    %sign3A_15 = arith.cmpi sgt, %jit3A, %sign3A_14 : i32
    %sign3A_16 = arith.extui %sign3A_15 : i1 to i32
    %sign3A_17 = arith.constant 0 : i32
    %sign3A_18 = arith.cmpi slt, %jit3A, %sign3A_17 : i32
    %sign3A_19 = arith.extui %sign3A_18 : i1 to i32
    %sign3A_20 = arith.subi %sign3A_16, %sign3A_19 : i32
    %ne3A = arith.cmpi ne, %sign3A_13, %sign3A_20 : i32
    %rem3A = arith.remsi %sub3A_7, %jit3A : i32
    %ne3A_21 = arith.constant 0 : i32
    %ne3A_22 = arith.cmpi ne, %rem3A, %ne3A_21 : i32
    %and3A = arith.andi %ne3A, %ne3A_22 : i1
    %sub3A_23 = arith.constant 1 : i32
    %sub3A_24 = arith.subi %div3A, %sub3A_23 : i32
    %select_n3A = arith.select %and3A, %sub3A_24, %div3A : i32
    %get3A_25 = arith.constant 0 : index
    %get3A_26 = arith.constant 0 : index
    %get3A_27 = arith.constant 0 : index
    %get3A_28 = vector.load %arg5[%get3A_25, %get3A_26, %get3A_27] : memref<2x768x768xf32, #tpu.memory_space<vmem>>, vector<1x768x768xf32>
    %get3A_29 = vector.shape_cast %get3A_28 : vector<1x768x768xf32> to vector<768x768xf32>
    %get3A_30 = arith.constant 0 : index
    %get3A_31 = arith.constant 0 : index
    %get3A_32 = arith.constant 0 : index
    %get3A_33 = vector.load %arg7[%get3A_30, %get3A_31, %get3A_32] : memref<2x768x768xf32, #tpu.memory_space<vmem>>, vector<1x768x768xf32>
    %get3A_34 = vector.shape_cast %get3A_33 : vector<1x768x768xf32> to vector<768x768xf32>
    %get3A_35 = arith.constant 0 : index
    %get3A_36 = arith.constant 0 : index
    %get3A_37 = arith.constant 0 : index
    %get3A_38 = vector.load %arg6[%get3A_35, %get3A_36, %get3A_37] : memref<2x1x768xf32, #tpu.memory_space<vmem>>, vector<1x1x768xf32>
    %get3A_39 = vector.shape_cast %get3A_38 : vector<1x1x768xf32> to vector<1x768xf32>
    %get3A_40 = arith.constant 0 : index
    %get3A_41 = arith.constant 0 : index
    %get3A_42 = arith.constant 0 : index
    %get3A_43 = vector.load %arg8[%get3A_40, %get3A_41, %get3A_42] : memref<2x1x768xf32, #tpu.memory_space<vmem>>, vector<1x1x768xf32>
    %get3A_44 = vector.shape_cast %get3A_43 : vector<1x1x768xf32> to vector<1x768xf32>
    %while3A = arith.constant 0 : i32
    %while3A_45 = arith.constant 0 : i32
    %while3A_46 = arith.subi %select_n3A, %while3A : i32
    %while3A_47 = arith.addi %while3A, %while3A_46 : i32
    %while3A_48 = arith.constant 1 : i32
    %while3A_49 = arith.divsi %while3A_46, %while3A_48 : i32
    %while3A_50 = arith.muli %while3A_49, %while3A_48 : i32
    %while3A_51 = arith.addi %while3A, %while3A_50 : i32
    %while3A_52 = arith.constant 1 : i32
    %while3A_53 = scf.for %while3A_124 = %while3A to %while3A_51 step %while3A_52 iter_args(%while3A_125 = %while3A_45) -> (i32)  : i32 {
      %mul3A_126 = arith.constant 64 : i32
      %mul3A_127 = arith.muli %while3A_124, %mul3A_126 : i32
      %add3A_128 = arith.addi %get3A_2, %mul3A_127 : i32
      %multiple_of3A = tpu.assume_multiple %add3A_128, 8 : i32
      %get3A_129 = arith.index_cast %multiple_of3A : i32 to index
      %get3A_130 = arith.constant 0 : index
      %get3A_131 = vector.load %arg3[%get3A_129, %get3A_130] : memref<2560x768xf32, #tpu.memory_space<vmem>>, vector<64x768xf32>
      %dot_general3A = arith.constant dense<0.000000e+00> : vector<64x768xf32>
      %dot_general3A_132 = tpu.matmul %get3A_131, %get3A_29, %dot_general3A {dimension_numbers = #tpu.dot_dimension_numbers<[1], [1], [0], [0], [0, 0, 1, 0], [], []>, transpose_lhs_hint = false} : vector<64x768xf32>, vector<768x768xf32>, vector<64x768xf32> -> vector<64x768xf32>
      %add3A_133 = vector.broadcast %get3A_39 : vector<1x768xf32> to vector<64x768xf32>
      %add3A_134 = arith.addf %dot_general3A_132, %add3A_133 : vector<64x768xf32>
      %mul3A_135 = arith.constant 5.000000e-01 : f32
      %mul3A_136 = vector.broadcast %mul3A_135 : f32 to vector<64x768xf32>
      %mul3A_137 = arith.mulf %add3A_134, %mul3A_136 : vector<64x768xf32>
      %mul3A_138 = arith.constant 0.707106769 : f32
      %mul3A_139 = vector.broadcast %mul3A_138 : f32 to vector<64x768xf32>
      %mul3A_140 = arith.mulf %add3A_134, %mul3A_139 : vector<64x768xf32>
      %erf3A = math.erf %mul3A_140 : vector<64x768xf32>
      %add3A_141 = arith.constant 1.000000e+00 : f32
      %add3A_142 = vector.broadcast %add3A_141 : f32 to vector<64x768xf32>
      %add3A_143 = arith.addf %add3A_142, %erf3A : vector<64x768xf32>
      %mul3A_144 = arith.mulf %mul3A_137, %add3A_143 : vector<64x768xf32>
      %dot_general3A_145 = arith.constant dense<0.000000e+00> : vector<64x768xf32>
      %dot_general3A_146 = tpu.matmul %mul3A_144, %get3A_34, %dot_general3A_145 {dimension_numbers = #tpu.dot_dimension_numbers<[1], [1], [0], [0], [0, 0, 1, 0], [], []>, transpose_lhs_hint = false} : vector<64x768xf32>, vector<768x768xf32>, vector<64x768xf32> -> vector<64x768xf32>
      %add3A_147 = vector.broadcast %get3A_44 : vector<1x768xf32> to vector<64x768xf32>
      %add3A_148 = arith.addf %dot_general3A_146, %add3A_147 : vector<64x768xf32>
      %get3A_149 = arith.index_cast %multiple_of3A : i32 to index
      %get3A_150 = arith.constant 0 : index
      %get3A_151 = vector.load %arg4[%get3A_149, %get3A_150] : memref<2560x768xf32, #tpu.memory_space<vmem>>, vector<64x768xf32>
      %add3A_152 = arith.addf %add3A_148, %get3A_151 : vector<64x768xf32>
      %swap3A = arith.index_cast %multiple_of3A : i32 to index
      %swap3A_153 = arith.constant 0 : index
      %swap3A_154 = vector.load %arg9[%swap3A, %swap3A_153] : memref<2560x768xf32, #tpu.memory_space<vmem>>, vector<64x768xf32>
      tpu.vector_store %arg9[%swap3A, %swap3A_153], %add3A_152 {strides = array<i32>} : memref<2560x768xf32, #tpu.memory_space<vmem>>, vector<64x768xf32>,
      %while3A_155 = arith.constant 0 : i32
      scf.yield %while3A_155 : i32
    }
    %while3A_54 = arith.constant 1 : i32
    %while3A_55 = scf.for %while3A_124 = %while3A_51 to %while3A_47 step %while3A_54 iter_args(%while3A_125 = %while3A_53) -> (i32)  : i32 {
      %mul3A_126 = arith.constant 64 : i32
      %mul3A_127 = arith.muli %while3A_124, %mul3A_126 : i32
      %add3A_128 = arith.addi %get3A_2, %mul3A_127 : i32
      %multiple_of3A = tpu.assume_multiple %add3A_128, 8 : i32
      %get3A_129 = arith.index_cast %multiple_of3A : i32 to index
      %get3A_130 = arith.constant 0 : index
      %get3A_131 = vector.load %arg3[%get3A_129, %get3A_130] : memref<2560x768xf32, #tpu.memory_space<vmem>>, vector<64x768xf32>
      %dot_general3A = arith.constant dense<0.000000e+00> : vector<64x768xf32>
      %dot_general3A_132 = tpu.matmul %get3A_131, %get3A_29, %dot_general3A {dimension_numbers = #tpu.dot_dimension_numbers<[1], [1], [0], [0], [0, 0, 1, 0], [], []>, transpose_lhs_hint = false} : vector<64x768xf32>, vector<768x768xf32>, vector<64x768xf32> -> vector<64x768xf32>
      %add3A_133 = vector.broadcast %get3A_39 : vector<1x768xf32> to vector<64x768xf32>
      %add3A_134 = arith.addf %dot_general3A_132, %add3A_133 : vector<64x768xf32>
      %mul3A_135 = arith.constant 5.000000e-01 : f32
      %mul3A_136 = vector.broadcast %mul3A_135 : f32 to vector<64x768xf32>
      %mul3A_137 = arith.mulf %add3A_134, %mul3A_136 : vector<64x768xf32>
      %mul3A_138 = arith.constant 0.707106769 : f32
      %mul3A_139 = vector.broadcast %mul3A_138 : f32 to vector<64x768xf32>
      %mul3A_140 = arith.mulf %add3A_134, %mul3A_139 : vector<64x768xf32>
      %erf3A = math.erf %mul3A_140 : vector<64x768xf32>
      %add3A_141 = arith.constant 1.000000e+00 : f32
      %add3A_142 = vector.broadcast %add3A_141 : f32 to vector<64x768xf32>
      %add3A_143 = arith.addf %add3A_142, %erf3A : vector<64x768xf32>
      %mul3A_144 = arith.mulf %mul3A_137, %add3A_143 : vector<64x768xf32>
      %dot_general3A_145 = arith.constant dense<0.000000e+00> : vector<64x768xf32>
      %dot_general3A_146 = tpu.matmul %mul3A_144, %get3A_34, %dot_general3A_145 {dimension_numbers = #tpu.dot_dimension_numbers<[1], [1], [0], [0], [0, 0, 1, 0], [], []>, transpose_lhs_hint = false} : vector<64x768xf32>, vector<768x768xf32>, vector<64x768xf32> -> vector<64x768xf32>
      %add3A_147 = vector.broadcast %get3A_44 : vector<1x768xf32> to vector<64x768xf32>
      %add3A_148 = arith.addf %dot_general3A_146, %add3A_147 : vector<64x768xf32>
      %get3A_149 = arith.index_cast %multiple_of3A : i32 to index
      %get3A_150 = arith.constant 0 : index
      %get3A_151 = vector.load %arg4[%get3A_149, %get3A_150] : memref<2560x768xf32, #tpu.memory_space<vmem>>, vector<64x768xf32>
      %add3A_152 = arith.addf %add3A_148, %get3A_151 : vector<64x768xf32>
      %swap3A = arith.index_cast %multiple_of3A : i32 to index
      %swap3A_153 = arith.constant 0 : index
      %swap3A_154 = vector.load %arg9[%swap3A, %swap3A_153] : memref<2560x768xf32, #tpu.memory_space<vmem>>, vector<64x768xf32>
      tpu.vector_store %arg9[%swap3A, %swap3A_153], %add3A_152 {strides = array<i32>} : memref<2560x768xf32, #tpu.memory_space<vmem>>, vector<64x768xf32>,
      %while3A_155 = arith.constant 0 : i32
      scf.yield %while3A_155 : i32
    }
    %mul3A_56 = arith.constant 2 : i32
    %mul3A_57 = arith.muli %arg0, %mul3A_56 : i32
    %add3A_58 = arith.constant 1 : i32
    %add3A_59 = arith.addi %mul3A_57, %add3A_58 : i32
    %get3A_60 = arith.index_cast %add3A_59 : i32 to index
    %get3A_61 = memref.load %arg1[%get3A_60] : memref<64xi32, #tpu.memory_space<smem>>
    %get3A_62 = arith.index_cast %add3A_59 : i32 to index
    %get3A_63 = memref.load %arg2[%get3A_62] : memref<64xi32, #tpu.memory_space<smem>>
    %add3A_64 = arith.constant 64 : i32
    %add3A_65 = arith.addi %get3A_63, %add3A_64 : i32
    %sub3A_66 = arith.constant 1 : i32
    %sub3A_67 = arith.subi %add3A_65, %sub3A_66 : i32
    %jit3A_68 = arith.constant 64 : i32
    %div3A_69 = arith.divsi %sub3A_67, %jit3A_68 : i32
    %sign3A_70 = arith.constant 0 : i32
    %sign3A_71 = arith.cmpi sgt, %sub3A_67, %sign3A_70 : i32
    %sign3A_72 = arith.extui %sign3A_71 : i1 to i32
    %sign3A_73 = arith.constant 0 : i32
    %sign3A_74 = arith.cmpi slt, %sub3A_67, %sign3A_73 : i32
    %sign3A_75 = arith.extui %sign3A_74 : i1 to i32
    %sign3A_76 = arith.subi %sign3A_72, %sign3A_75 : i32
    %sign3A_77 = arith.constant 0 : i32
    %sign3A_78 = arith.cmpi sgt, %jit3A_68, %sign3A_77 : i32
    %sign3A_79 = arith.extui %sign3A_78 : i1 to i32
    %sign3A_80 = arith.constant 0 : i32
    %sign3A_81 = arith.cmpi slt, %jit3A_68, %sign3A_80 : i32
    %sign3A_82 = arith.extui %sign3A_81 : i1 to i32
    %sign3A_83 = arith.subi %sign3A_79, %sign3A_82 : i32
    %ne3A_84 = arith.cmpi ne, %sign3A_76, %sign3A_83 : i32
    %rem3A_85 = arith.remsi %sub3A_67, %jit3A_68 : i32
    %ne3A_86 = arith.constant 0 : i32
    %ne3A_87 = arith.cmpi ne, %rem3A_85, %ne3A_86 : i32
    %and3A_88 = arith.andi %ne3A_84, %ne3A_87 : i1
    %sub3A_89 = arith.constant 1 : i32
    %sub3A_90 = arith.subi %div3A_69, %sub3A_89 : i32
    %select_n3A_91 = arith.select %and3A_88, %sub3A_90, %div3A_69 : i32
    %get3A_92 = arith.constant 1 : index
    %get3A_93 = arith.constant 0 : index
    %get3A_94 = arith.constant 0 : index
    %get3A_95 = vector.load %arg5[%get3A_92, %get3A_93, %get3A_94] : memref<2x768x768xf32, #tpu.memory_space<vmem>>, vector<1x768x768xf32>
    %get3A_96 = vector.shape_cast %get3A_95 : vector<1x768x768xf32> to vector<768x768xf32>
    %get3A_97 = arith.constant 1 : index
    %get3A_98 = arith.constant 0 : index
    %get3A_99 = arith.constant 0 : index
    %get3A_100 = vector.load %arg7[%get3A_97, %get3A_98, %get3A_99] : memref<2x768x768xf32, #tpu.memory_space<vmem>>, vector<1x768x768xf32>
    %get3A_101 = vector.shape_cast %get3A_100 : vector<1x768x768xf32> to vector<768x768xf32>
    %get3A_102 = arith.constant 1 : index
    %get3A_103 = arith.constant 0 : index
    %get3A_104 = arith.constant 0 : index
    %get3A_105 = vector.load %arg6[%get3A_102, %get3A_103, %get3A_104] : memref<2x1x768xf32, #tpu.memory_space<vmem>>, vector<1x1x768xf32>
    %get3A_106 = vector.shape_cast %get3A_105 : vector<1x1x768xf32> to vector<1x768xf32>
    %get3A_107 = arith.constant 1 : index
    %get3A_108 = arith.constant 0 : index
    %get3A_109 = arith.constant 0 : index
    %get3A_110 = vector.load %arg8[%get3A_107, %get3A_108, %get3A_109] : memref<2x1x768xf32, #tpu.memory_space<vmem>>, vector<1x1x768xf32>
    %get3A_111 = vector.shape_cast %get3A_110 : vector<1x1x768xf32> to vector<1x768xf32>
    %while3A_112 = arith.constant 0 : i32
    %while3A_113 = arith.constant 0 : i32
    %while3A_114 = arith.subi %select_n3A_91, %while3A_112 : i32
    %while3A_115 = arith.addi %while3A_112, %while3A_114 : i32
    %while3A_116 = arith.constant 1 : i32
    %while3A_117 = arith.divsi %while3A_114, %while3A_116 : i32
    %while3A_118 = arith.muli %while3A_117, %while3A_116 : i32
    %while3A_119 = arith.addi %while3A_112, %while3A_118 : i32
    %while3A_120 = arith.constant 1 : i32
    %while3A_121 = scf.for %while3A_124 = %while3A_112 to %while3A_119 step %while3A_120 iter_args(%while3A_125 = %while3A_113) -> (i32)  : i32 {
      %mul3A_126 = arith.constant 64 : i32
      %mul3A_127 = arith.muli %while3A_124, %mul3A_126 : i32
      %add3A_128 = arith.addi %get3A_61, %mul3A_127 : i32
      %multiple_of3A = tpu.assume_multiple %add3A_128, 8 : i32
      %get3A_129 = arith.index_cast %multiple_of3A : i32 to index
      %get3A_130 = arith.constant 0 : index
      %get3A_131 = vector.load %arg3[%get3A_129, %get3A_130] : memref<2560x768xf32, #tpu.memory_space<vmem>>, vector<64x768xf32>
      %dot_general3A = arith.constant dense<0.000000e+00> : vector<64x768xf32>
      %dot_general3A_132 = tpu.matmul %get3A_131, %get3A_96, %dot_general3A {dimension_numbers = #tpu.dot_dimension_numbers<[1], [1], [0], [0], [0, 0, 1, 0], [], []>, transpose_lhs_hint = false} : vector<64x768xf32>, vector<768x768xf32>, vector<64x768xf32> -> vector<64x768xf32>
      %add3A_133 = vector.broadcast %get3A_106 : vector<1x768xf32> to vector<64x768xf32>
      %add3A_134 = arith.addf %dot_general3A_132, %add3A_133 : vector<64x768xf32>
      %mul3A_135 = arith.constant 5.000000e-01 : f32
      %mul3A_136 = vector.broadcast %mul3A_135 : f32 to vector<64x768xf32>
      %mul3A_137 = arith.mulf %add3A_134, %mul3A_136 : vector<64x768xf32>
      %mul3A_138 = arith.constant 0.707106769 : f32
      %mul3A_139 = vector.broadcast %mul3A_138 : f32 to vector<64x768xf32>
      %mul3A_140 = arith.mulf %add3A_134, %mul3A_139 : vector<64x768xf32>
      %erf3A = math.erf %mul3A_140 : vector<64x768xf32>
      %add3A_141 = arith.constant 1.000000e+00 : f32
      %add3A_142 = vector.broadcast %add3A_141 : f32 to vector<64x768xf32>
      %add3A_143 = arith.addf %add3A_142, %erf3A : vector<64x768xf32>
      %mul3A_144 = arith.mulf %mul3A_137, %add3A_143 : vector<64x768xf32>
      %dot_general3A_145 = arith.constant dense<0.000000e+00> : vector<64x768xf32>
      %dot_general3A_146 = tpu.matmul %mul3A_144, %get3A_101, %dot_general3A_145 {dimension_numbers = #tpu.dot_dimension_numbers<[1], [1], [0], [0], [0, 0, 1, 0], [], []>, transpose_lhs_hint = false} : vector<64x768xf32>, vector<768x768xf32>, vector<64x768xf32> -> vector<64x768xf32>
      %add3A_147 = vector.broadcast %get3A_111 : vector<1x768xf32> to vector<64x768xf32>
      %add3A_148 = arith.addf %dot_general3A_146, %add3A_147 : vector<64x768xf32>
      %get3A_149 = arith.index_cast %multiple_of3A : i32 to index
      %get3A_150 = arith.constant 0 : index
      %get3A_151 = vector.load %arg4[%get3A_149, %get3A_150] : memref<2560x768xf32, #tpu.memory_space<vmem>>, vector<64x768xf32>
      %add3A_152 = arith.addf %add3A_148, %get3A_151 : vector<64x768xf32>
      %swap3A = arith.index_cast %multiple_of3A : i32 to index
      %swap3A_153 = arith.constant 0 : index
      %swap3A_154 = vector.load %arg9[%swap3A, %swap3A_153] : memref<2560x768xf32, #tpu.memory_space<vmem>>, vector<64x768xf32>
      tpu.vector_store %arg9[%swap3A, %swap3A_153], %add3A_152 {strides = array<i32>} : memref<2560x768xf32, #tpu.memory_space<vmem>>, vector<64x768xf32>,
      %while3A_155 = arith.constant 0 : i32
      scf.yield %while3A_155 : i32
    }
    %while3A_122 = arith.constant 1 : i32
    %while3A_123 = scf.for %while3A_124 = %while3A_119 to %while3A_115 step %while3A_122 iter_args(%while3A_125 = %while3A_121) -> (i32)  : i32 {
      %mul3A_126 = arith.constant 64 : i32
      %mul3A_127 = arith.muli %while3A_124, %mul3A_126 : i32
      %add3A_128 = arith.addi %get3A_61, %mul3A_127 : i32
      %multiple_of3A = tpu.assume_multiple %add3A_128, 8 : i32
      %get3A_129 = arith.index_cast %multiple_of3A : i32 to index
      %get3A_130 = arith.constant 0 : index
      %get3A_131 = vector.load %arg3[%get3A_129, %get3A_130] : memref<2560x768xf32, #tpu.memory_space<vmem>>, vector<64x768xf32>
      %dot_general3A = arith.constant dense<0.000000e+00> : vector<64x768xf32>
      %dot_general3A_132 = tpu.matmul %get3A_131, %get3A_96, %dot_general3A {dimension_numbers = #tpu.dot_dimension_numbers<[1], [1], [0], [0], [0, 0, 1, 0], [], []>, transpose_lhs_hint = false} : vector<64x768xf32>, vector<768x768xf32>, vector<64x768xf32> -> vector<64x768xf32>
      %add3A_133 = vector.broadcast %get3A_106 : vector<1x768xf32> to vector<64x768xf32>
      %add3A_134 = arith.addf %dot_general3A_132, %add3A_133 : vector<64x768xf32>
      %mul3A_135 = arith.constant 5.000000e-01 : f32
      %mul3A_136 = vector.broadcast %mul3A_135 : f32 to vector<64x768xf32>
      %mul3A_137 = arith.mulf %add3A_134, %mul3A_136 : vector<64x768xf32>
      %mul3A_138 = arith.constant 0.707106769 : f32
      %mul3A_139 = vector.broadcast %mul3A_138 : f32 to vector<64x768xf32>
      %mul3A_140 = arith.mulf %add3A_134, %mul3A_139 : vector<64x768xf32>
      %erf3A = math.erf %mul3A_140 : vector<64x768xf32>
      %add3A_141 = arith.constant 1.000000e+00 : f32
      %add3A_142 = vector.broadcast %add3A_141 : f32 to vector<64x768xf32>
      %add3A_143 = arith.addf %add3A_142, %erf3A : vector<64x768xf32>
      %mul3A_144 = arith.mulf %mul3A_137, %add3A_143 : vector<64x768xf32>
      %dot_general3A_145 = arith.constant dense<0.000000e+00> : vector<64x768xf32>
      %dot_general3A_146 = tpu.matmul %mul3A_144, %get3A_101, %dot_general3A_145 {dimension_numbers = #tpu.dot_dimension_numbers<[1], [1], [0], [0], [0, 0, 1, 0], [], []>, transpose_lhs_hint = false} : vector<64x768xf32>, vector<768x768xf32>, vector<64x768xf32> -> vector<64x768xf32>
      %add3A_147 = vector.broadcast %get3A_111 : vector<1x768xf32> to vector<64x768xf32>
      %add3A_148 = arith.addf %dot_general3A_146, %add3A_147 : vector<64x768xf32>
      %get3A_149 = arith.index_cast %multiple_of3A : i32 to index
      %get3A_150 = arith.constant 0 : index
      %get3A_151 = vector.load %arg4[%get3A_149, %get3A_150] : memref<2560x768xf32, #tpu.memory_space<vmem>>, vector<64x768xf32>
      %add3A_152 = arith.addf %add3A_148, %get3A_151 : vector<64x768xf32>
      %swap3A = arith.index_cast %multiple_of3A : i32 to index
      %swap3A_153 = arith.constant 0 : index
      %swap3A_154 = vector.load %arg9[%swap3A, %swap3A_153] : memref<2560x768xf32, #tpu.memory_space<vmem>>, vector<64x768xf32>
      tpu.vector_store %arg9[%swap3A, %swap3A_153], %add3A_152 {strides = array<i32>} : memref<2560x768xf32, #tpu.memory_space<vmem>>, vector<64x768xf32>,
      %while3A_155 = arith.constant 0 : i32
      scf.yield %while3A_155 : i32
    }
    return
  }
  func.func @transform_0(%arg0: i32, %arg1: memref<64xi32, #tpu.memory_space<smem>>, %arg2: memref<64xi32, #tpu.memory_space<smem>>) -> (i32, i32) {
    %c0_i32 = arith.constant 0 : i32
    %c0_i32_0 = arith.constant 0 : i32
    %c0_i32_1 = arith.constant 0 : i32
    return %c0_i32, %c0_i32_0 : i32, i32
  }
  func.func @transform_1(%arg0: i32, %arg1: memref<64xi32, #tpu.memory_space<smem>>, %arg2: memref<64xi32, #tpu.memory_space<smem>>) -> (i32, i32) {
    %c0_i32 = arith.constant 0 : i32
    %c0_i32_0 = arith.constant 0 : i32
    %c0_i32_1 = arith.constant 0 : i32
    return %c0_i32, %c0_i32_0 : i32, i32
  }
  func.func @transform_2(%arg0: i32, %arg1: memref<64xi32, #tpu.memory_space<smem>>, %arg2: memref<64xi32, #tpu.memory_space<smem>>) -> (i32, i32, i32) {
    %c0_i32 = arith.constant 0 : i32
    %c0_i32_0 = arith.constant 0 : i32
    %c0_i32_1 = arith.constant 0 : i32
    return %arg0, %c0_i32, %c0_i32_0 : i32, i32, i32
  }
  func.func @transform_3(%arg0: i32, %arg1: memref<64xi32, #tpu.memory_space<smem>>, %arg2: memref<64xi32, #tpu.memory_space<smem>>) -> (i32, i32, i32) {
    %c0_i32 = arith.constant 0 : i32
    %c0_i32_0 = arith.constant 0 : i32
    %c0_i32_1 = arith.constant 0 : i32
    return %arg0, %c0_i32, %c0_i32_0 : i32, i32, i32
  }
  func.func @transform_4(%arg0: i32, %arg1: memref<64xi32, #tpu.memory_space<smem>>, %arg2: memref<64xi32, #tpu.memory_space<smem>>) -> (i32, i32, i32) {
    %c0_i32 = arith.constant 0 : i32
    %c0_i32_0 = arith.constant 0 : i32
    %c0_i32_1 = arith.constant 0 : i32
    return %arg0, %c0_i32, %c0_i32_0 : i32, i32, i32
  }
  func.func @transform_5(%arg0: i32, %arg1: memref<64xi32, #tpu.memory_space<smem>>, %arg2: memref<64xi32, #tpu.memory_space<smem>>) -> (i32, i32, i32) {
    %c0_i32 = arith.constant 0 : i32
    %c0_i32_0 = arith.constant 0 : i32
    %c0_i32_1 = arith.constant 0 : i32
    return %arg0, %c0_i32, %c0_i32_0 : i32, i32, i32
  }
  func.func @transform_6(%arg0: i32, %arg1: memref<64xi32, #tpu.memory_space<smem>>, %arg2: memref<64xi32, #tpu.memory_space<smem>>) -> (i32, i32) {
    %c0_i32 = arith.constant 0 : i32
    %c0_i32_0 = arith.constant 0 : i32
    %c0_i32_1 = arith.constant 0 : i32
    return %c0_i32, %c0_i32_0 : i32, i32
  }
}

module attributes {stable_mosaic.version = 14 : i64} {
  func.func @_front_kernel(%arg0: memref<2048x768xf32, #tpu.memory_space<vmem>>, %arg1: memref<64x768xf32, #tpu.memory_space<vmem>>, %arg2: memref<1x64xf32, #tpu.memory_space<vmem>>, %arg3: memref<768x768xf32, #tpu.memory_space<vmem>>, %arg4: memref<1x768xf32, #tpu.memory_space<vmem>>, %arg5: memref<768x768xf32, #tpu.memory_space<vmem>>, %arg6: memref<1x768xf32, #tpu.memory_space<vmem>>, %arg7: memref<1x2048xi32, #tpu.memory_space<vmem>>, %arg8: memref<1x2048xi32, #tpu.memory_space<vmem>>, %arg9: memref<1x64xi32, #tpu.memory_space<vmem>>, %arg10: memref<1x64xi32, #tpu.memory_space<vmem>>, %arg11: memref<2048x768xf32, #tpu.memory_space<vmem>>) attributes {dimension_semantics = [], scalar_prefetch = 0 : i64, scratch_operands = 0 : i64, tpu.core_type = #tpu.core_type<tc>} {
    %get3A = arith.constant 0 : index
    %get3A_0 = arith.constant 0 : index
    %get3A_1 = vector.load %arg0[%get3A, %get3A_0] : memref<2048x768xf32, #tpu.memory_space<vmem>>, vector<2048x768xf32>
    %get3A_2 = arith.constant 0 : index
    %get3A_3 = arith.constant 0 : index
    %get3A_4 = vector.load %arg1[%get3A_2, %get3A_3] : memref<64x768xf32, #tpu.memory_space<vmem>>, vector<64x768xf32>
    %dot_general3A = arith.constant dense<0.000000e+00> : vector<2048x64xf32>
    %dot_general3A_5 = tpu.matmul %get3A_1, %get3A_4, %dot_general3A {dimension_numbers = #tpu.dot_dimension_numbers<[1], [1], [0], [0], [0, 0, 1, 0], [], []>, transpose_lhs_hint = false} : vector<2048x768xf32>, vector<64x768xf32>, vector<2048x64xf32> -> vector<2048x64xf32>
    %get3A_6 = arith.constant 0 : index
    %get3A_7 = arith.constant 0 : index
    %get3A_8 = vector.load %arg2[%get3A_6, %get3A_7] : memref<1x64xf32, #tpu.memory_space<vmem>>, vector<1x64xf32>
    %add3A = vector.broadcast %get3A_8 : vector<1x64xf32> to vector<2048x64xf32>
    %add3A_9 = arith.addf %dot_general3A_5, %add3A : vector<2048x64xf32>
    %reduce_max3A = arith.constant dense<0xFF800000> : vector<2048xf32>
    %reduce_max3A_10 = vector.multi_reduction <maximumf>, %add3A_9, %reduce_max3A [1] : vector<2048x64xf32> to vector<2048xf32>
    %broadcast_in_dim3A = vector.shape_cast %reduce_max3A_10 : vector<2048xf32> to vector<2048x1xf32>
    %iota3A = tpu.iota {dimensions = array<i32: 1>} : vector<2048x64xi32>
    %eq3A = vector.broadcast %broadcast_in_dim3A : vector<2048x1xf32> to vector<2048x64xf32>
    %eq3A_11 = arith.cmpf oeq, %add3A_9, %eq3A : vector<2048x64xf32>
    %jit3A = arith.constant 64 : i32
    %broadcast_in_dim3A_12 = vector.broadcast %jit3A : i32 to vector<2048x64xi32>
    %select_n3A = arith.select %eq3A_11, %iota3A, %broadcast_in_dim3A_12 : vector<2048x64xi1>, vector<2048x64xi32>
    %reduce_min3A = arith.constant dense<2147483647> : vector<2048xi32>
    %reduce_min3A_13 = vector.multi_reduction <minsi>, %select_n3A, %reduce_min3A [1] : vector<2048x64xi32> to vector<2048xi32>
    %broadcast_in_dim3A_14 = vector.shape_cast %reduce_min3A_13 : vector<2048xi32> to vector<2048x1xi32>
    %eq3A_15 = vector.broadcast %broadcast_in_dim3A_14 : vector<2048x1xi32> to vector<2048x64xi32>
    %eq3A_16 = arith.cmpi eq, %iota3A, %eq3A_15 : vector<2048x64xi32>
    %convert_element_type3A = arith.extui %eq3A_16 : vector<2048x64xi1> to vector<2048x64xi32>
    %convert_element_type3A_17 = arith.sitofp %convert_element_type3A : vector<2048x64xi32> to vector<2048x64xf32>
    %reduce_sum3A = arith.constant dense<0.000000e+00> : vector<64xf32>
    %reduce_sum3A_18 = vector.multi_reduction <add>, %convert_element_type3A_17, %reduce_sum3A [0] : vector<2048x64xf32> to vector<64xf32>
    %add3A_19 = arith.constant 7.000000e+00 : f32
    %add3A_20 = vector.broadcast %add3A_19 : f32 to vector<64xf32>
    %add3A_21 = arith.addf %reduce_sum3A_18, %add3A_20 : vector<64xf32>
    %div3A = arith.constant 8.000000e+00 : f32
    %div3A_22 = vector.broadcast %div3A : f32 to vector<64xf32>
    %div3A_23 = arith.divf %add3A_21, %div3A_22 : vector<64xf32>
    %floor3A = math.floor %div3A_23 : vector<64xf32>
    %mul3A = arith.constant 8.000000e+00 : f32
    %mul3A_24 = vector.broadcast %mul3A : f32 to vector<64xf32>
    %mul3A_25 = arith.mulf %floor3A, %mul3A_24 : vector<64xf32>
    %iota3A_26 = tpu.iota {dimensions = array<i32: 0>} : vector<64x64xi32>
    %iota3A_27 = tpu.iota {dimensions = array<i32: 1>} : vector<64x64xi32>
    %lt3A = arith.cmpi slt, %iota3A_27, %iota3A_26 : vector<64x64xi32>
    %broadcast_in_dim3A_28 = vector.shape_cast %mul3A_25 : vector<64xf32> to vector<1x64xf32>
    %jit3A_29 = arith.constant 0.000000e+00 : f32
    %broadcast_in_dim3A_30 = vector.shape_cast %broadcast_in_dim3A_28 : vector<1x64xf32> to vector<1x64xf32>
    %broadcast_in_dim3A_31 = vector.broadcast %broadcast_in_dim3A_30 : vector<1x64xf32> to vector<64x64xf32>
    %broadcast_in_dim3A_32 = vector.broadcast %jit3A_29 : f32 to vector<64x64xf32>
    %select_n3A_33 = arith.select %lt3A, %broadcast_in_dim3A_31, %broadcast_in_dim3A_32 : vector<64x64xi1>, vector<64x64xf32>
    %reduce_sum3A_34 = arith.constant dense<0.000000e+00> : vector<64xf32>
    %reduce_sum3A_35 = vector.multi_reduction <add>, %select_n3A_33, %reduce_sum3A_34 [1] : vector<64x64xf32> to vector<64xf32>
    %iota3A_36 = tpu.iota {dimensions = array<i32: 0>} : vector<128x128xi32>
    %iota3A_37 = tpu.iota {dimensions = array<i32: 1>} : vector<128x128xi32>
    %lt3A_38 = arith.cmpi slt, %iota3A_37, %iota3A_36 : vector<128x128xi32>
    %jit3A_39 = arith.constant 1.000000e+00 : f32
    %jit3A_40 = arith.constant 0.000000e+00 : f32
    %broadcast_in_dim3A_41 = vector.broadcast %jit3A_39 : f32 to vector<128x128xf32>
    %broadcast_in_dim3A_42 = vector.broadcast %jit3A_40 : f32 to vector<128x128xf32>
    %select_n3A_43 = arith.select %lt3A_38, %broadcast_in_dim3A_41, %broadcast_in_dim3A_42 : vector<128x128xi1>, vector<128x128xf32>
    %broadcast_in_dim3A_44 = arith.constant 0.000000e+00 : f32
    %broadcast_in_dim3A_45 = vector.broadcast %broadcast_in_dim3A_44 : f32 to vector<1x64xf32>
    %slice3A = vector.extract_strided_slice %convert_element_type3A_17 {offsets = [0, 0], sizes = [128, 64], strides = [1, 1]} : vector<2048x64xf32> to vector<128x64xf32>
    %dot_general3A_46 = arith.constant dense<0.000000e+00> : vector<128x64xf32>
    %dot_general3A_47 = tpu.matmul %select_n3A_43, %slice3A, %dot_general3A_46 {dimension_numbers = #tpu.dot_dimension_numbers<[1], [0], [0], [1], [0, 0, 1, 1], [], []>, transpose_lhs_hint = false} : vector<128x128xf32>, vector<128x64xf32>, vector<128x64xf32> -> vector<128x64xf32>
    %add3A_48 = vector.broadcast %broadcast_in_dim3A_45 : vector<1x64xf32> to vector<128x64xf32>
    %add3A_49 = arith.addf %dot_general3A_47, %add3A_48 : vector<128x64xf32>
    %broadcast_in_dim3A_50 = vector.shape_cast %reduce_sum3A_35 : vector<64xf32> to vector<1x64xf32>
    %add3A_51 = vector.broadcast %broadcast_in_dim3A_50 : vector<1x64xf32> to vector<128x64xf32>
    %add3A_52 = arith.addf %add3A_49, %add3A_51 : vector<128x64xf32>
    %mul3A_53 = arith.mulf %add3A_52, %slice3A : vector<128x64xf32>
    %reduce_sum3A_54 = arith.constant dense<0.000000e+00> : vector<128xf32>
    %reduce_sum3A_55 = vector.multi_reduction <add>, %mul3A_53, %reduce_sum3A_54 [1] : vector<128x64xf32> to vector<128xf32>
    %convert_element_type3A_56 = arith.fptosi %reduce_sum3A_55 : vector<128xf32> to vector<128xi32>
    %swap3A = arith.constant 0 : index
    %swap3A_57 = arith.constant 0 : index
    %swap3A_58 = vector.load %arg7[%swap3A, %swap3A_57] : memref<1x2048xi32, #tpu.memory_space<vmem>>, vector<1x128xi32>
    %swap3A_59 = vector.shape_cast %swap3A_58 : vector<1x128xi32> to vector<128xi32>
    %swap3A_60 = vector.shape_cast %convert_element_type3A_56 : vector<128xi32> to vector<1x128xi32>
    tpu.vector_store %arg7[%swap3A, %swap3A_57], %swap3A_60 {strides = array<i32>} : memref<1x2048xi32, #tpu.memory_space<vmem>>, vector<1x128xi32>,
    %slice3A_61 = vector.extract_strided_slice %slice3A {offsets = [0, 32], sizes = [128, 32], strides = [1, 1]} : vector<128x64xf32> to vector<128x32xf32>
    %reduce_sum3A_62 = arith.constant dense<0.000000e+00> : vector<128xf32>
    %reduce_sum3A_63 = vector.multi_reduction <add>, %slice3A_61, %reduce_sum3A_62 [1] : vector<128x32xf32> to vector<128xf32>
    %mul3A_64 = arith.constant 2.560000e+03 : f32
    %mul3A_65 = vector.broadcast %mul3A_64 : f32 to vector<128xf32>
    %mul3A_66 = arith.mulf %mul3A_65, %reduce_sum3A_63 : vector<128xf32>
    %add3A_67 = arith.addf %reduce_sum3A_55, %mul3A_66 : vector<128xf32>
    %convert_element_type3A_68 = arith.fptosi %add3A_67 : vector<128xf32> to vector<128xi32>
    %swap3A_69 = arith.constant 0 : index
    %swap3A_70 = arith.constant 0 : index
    %swap3A_71 = vector.load %arg8[%swap3A_69, %swap3A_70] : memref<1x2048xi32, #tpu.memory_space<vmem>>, vector<1x128xi32>
    %swap3A_72 = vector.shape_cast %swap3A_71 : vector<1x128xi32> to vector<128xi32>
    %swap3A_73 = vector.shape_cast %convert_element_type3A_68 : vector<128xi32> to vector<1x128xi32>
    tpu.vector_store %arg8[%swap3A_69, %swap3A_70], %swap3A_73 {strides = array<i32>} : memref<1x2048xi32, #tpu.memory_space<vmem>>, vector<1x128xi32>,
    %reduce_sum3A_74 = arith.constant dense<0.000000e+00> : vector<64xf32>
    %reduce_sum3A_75 = vector.multi_reduction <add>, %slice3A, %reduce_sum3A_74 [0] : vector<128x64xf32> to vector<64xf32>
    %broadcast_in_dim3A_76 = vector.shape_cast %reduce_sum3A_75 : vector<64xf32> to vector<1x64xf32>
    %add3A_77 = arith.addf %broadcast_in_dim3A_45, %broadcast_in_dim3A_76 : vector<1x64xf32>
    %slice3A_78 = vector.extract_strided_slice %convert_element_type3A_17 {offsets = [128, 0], sizes = [128, 64], strides = [1, 1]} : vector<2048x64xf32> to vector<128x64xf32>
    %dot_general3A_79 = arith.constant dense<0.000000e+00> : vector<128x64xf32>
    %dot_general3A_80 = tpu.matmul %select_n3A_43, %slice3A_78, %dot_general3A_79 {dimension_numbers = #tpu.dot_dimension_numbers<[1], [0], [0], [1], [0, 0, 1, 1], [], []>, transpose_lhs_hint = false} : vector<128x128xf32>, vector<128x64xf32>, vector<128x64xf32> -> vector<128x64xf32>
    %add3A_81 = vector.broadcast %add3A_77 : vector<1x64xf32> to vector<128x64xf32>
    %add3A_82 = arith.addf %dot_general3A_80, %add3A_81 : vector<128x64xf32>
    %broadcast_in_dim3A_83 = vector.shape_cast %reduce_sum3A_35 : vector<64xf32> to vector<1x64xf32>
    %add3A_84 = vector.broadcast %broadcast_in_dim3A_83 : vector<1x64xf32> to vector<128x64xf32>
    %add3A_85 = arith.addf %add3A_82, %add3A_84 : vector<128x64xf32>
    %mul3A_86 = arith.mulf %add3A_85, %slice3A_78 : vector<128x64xf32>
    %reduce_sum3A_87 = arith.constant dense<0.000000e+00> : vector<128xf32>
    %reduce_sum3A_88 = vector.multi_reduction <add>, %mul3A_86, %reduce_sum3A_87 [1] : vector<128x64xf32> to vector<128xf32>
    %convert_element_type3A_89 = arith.fptosi %reduce_sum3A_88 : vector<128xf32> to vector<128xi32>
    %swap3A_90 = arith.constant 0 : index
    %swap3A_91 = arith.constant 128 : index
    %swap3A_92 = vector.load %arg7[%swap3A_90, %swap3A_91] : memref<1x2048xi32, #tpu.memory_space<vmem>>, vector<1x128xi32>
    %swap3A_93 = vector.shape_cast %swap3A_92 : vector<1x128xi32> to vector<128xi32>
    %swap3A_94 = vector.shape_cast %convert_element_type3A_89 : vector<128xi32> to vector<1x128xi32>
    tpu.vector_store %arg7[%swap3A_90, %swap3A_91], %swap3A_94 {strides = array<i32>} : memref<1x2048xi32, #tpu.memory_space<vmem>>, vector<1x128xi32>,
    %slice3A_95 = vector.extract_strided_slice %slice3A_78 {offsets = [0, 32], sizes = [128, 32], strides = [1, 1]} : vector<128x64xf32> to vector<128x32xf32>
    %reduce_sum3A_96 = arith.constant dense<0.000000e+00> : vector<128xf32>
    %reduce_sum3A_97 = vector.multi_reduction <add>, %slice3A_95, %reduce_sum3A_96 [1] : vector<128x32xf32> to vector<128xf32>
    %mul3A_98 = arith.constant 2.560000e+03 : f32
    %mul3A_99 = vector.broadcast %mul3A_98 : f32 to vector<128xf32>
    %mul3A_100 = arith.mulf %mul3A_99, %reduce_sum3A_97 : vector<128xf32>
    %add3A_101 = arith.addf %reduce_sum3A_88, %mul3A_100 : vector<128xf32>
    %convert_element_type3A_102 = arith.fptosi %add3A_101 : vector<128xf32> to vector<128xi32>
    %swap3A_103 = arith.constant 0 : index
    %swap3A_104 = arith.constant 128 : index
    %swap3A_105 = vector.load %arg8[%swap3A_103, %swap3A_104] : memref<1x2048xi32, #tpu.memory_space<vmem>>, vector<1x128xi32>
    %swap3A_106 = vector.shape_cast %swap3A_105 : vector<1x128xi32> to vector<128xi32>
    %swap3A_107 = vector.shape_cast %convert_element_type3A_102 : vector<128xi32> to vector<1x128xi32>
    tpu.vector_store %arg8[%swap3A_103, %swap3A_104], %swap3A_107 {strides = array<i32>} : memref<1x2048xi32, #tpu.memory_space<vmem>>, vector<1x128xi32>,
    %reduce_sum3A_108 = arith.constant dense<0.000000e+00> : vector<64xf32>
    %reduce_sum3A_109 = vector.multi_reduction <add>, %slice3A_78, %reduce_sum3A_108 [0] : vector<128x64xf32> to vector<64xf32>
    %broadcast_in_dim3A_110 = vector.shape_cast %reduce_sum3A_109 : vector<64xf32> to vector<1x64xf32>
    %add3A_111 = arith.addf %add3A_77, %broadcast_in_dim3A_110 : vector<1x64xf32>
    %slice3A_112 = vector.extract_strided_slice %convert_element_type3A_17 {offsets = [256, 0], sizes = [128, 64], strides = [1, 1]} : vector<2048x64xf32> to vector<128x64xf32>
    %dot_general3A_113 = arith.constant dense<0.000000e+00> : vector<128x64xf32>
    %dot_general3A_114 = tpu.matmul %select_n3A_43, %slice3A_112, %dot_general3A_113 {dimension_numbers = #tpu.dot_dimension_numbers<[1], [0], [0], [1], [0, 0, 1, 1], [], []>, transpose_lhs_hint = false} : vector<128x128xf32>, vector<128x64xf32>, vector<128x64xf32> -> vector<128x64xf32>
    %add3A_115 = vector.broadcast %add3A_111 : vector<1x64xf32> to vector<128x64xf32>
    %add3A_116 = arith.addf %dot_general3A_114, %add3A_115 : vector<128x64xf32>
    %broadcast_in_dim3A_117 = vector.shape_cast %reduce_sum3A_35 : vector<64xf32> to vector<1x64xf32>
    %add3A_118 = vector.broadcast %broadcast_in_dim3A_117 : vector<1x64xf32> to vector<128x64xf32>
    %add3A_119 = arith.addf %add3A_116, %add3A_118 : vector<128x64xf32>
    %mul3A_120 = arith.mulf %add3A_119, %slice3A_112 : vector<128x64xf32>
    %reduce_sum3A_121 = arith.constant dense<0.000000e+00> : vector<128xf32>
    %reduce_sum3A_122 = vector.multi_reduction <add>, %mul3A_120, %reduce_sum3A_121 [1] : vector<128x64xf32> to vector<128xf32>
    %convert_element_type3A_123 = arith.fptosi %reduce_sum3A_122 : vector<128xf32> to vector<128xi32>
    %swap3A_124 = arith.constant 0 : index
    %swap3A_125 = arith.constant 256 : index
    %swap3A_126 = vector.load %arg7[%swap3A_124, %swap3A_125] : memref<1x2048xi32, #tpu.memory_space<vmem>>, vector<1x128xi32>
    %swap3A_127 = vector.shape_cast %swap3A_126 : vector<1x128xi32> to vector<128xi32>
    %swap3A_128 = vector.shape_cast %convert_element_type3A_123 : vector<128xi32> to vector<1x128xi32>
    tpu.vector_store %arg7[%swap3A_124, %swap3A_125], %swap3A_128 {strides = array<i32>} : memref<1x2048xi32, #tpu.memory_space<vmem>>, vector<1x128xi32>,
    %slice3A_129 = vector.extract_strided_slice %slice3A_112 {offsets = [0, 32], sizes = [128, 32], strides = [1, 1]} : vector<128x64xf32> to vector<128x32xf32>
    %reduce_sum3A_130 = arith.constant dense<0.000000e+00> : vector<128xf32>
    %reduce_sum3A_131 = vector.multi_reduction <add>, %slice3A_129, %reduce_sum3A_130 [1] : vector<128x32xf32> to vector<128xf32>
    %mul3A_132 = arith.constant 2.560000e+03 : f32
    %mul3A_133 = vector.broadcast %mul3A_132 : f32 to vector<128xf32>
    %mul3A_134 = arith.mulf %mul3A_133, %reduce_sum3A_131 : vector<128xf32>
    %add3A_135 = arith.addf %reduce_sum3A_122, %mul3A_134 : vector<128xf32>
    %convert_element_type3A_136 = arith.fptosi %add3A_135 : vector<128xf32> to vector<128xi32>
    %swap3A_137 = arith.constant 0 : index
    %swap3A_138 = arith.constant 256 : index
    %swap3A_139 = vector.load %arg8[%swap3A_137, %swap3A_138] : memref<1x2048xi32, #tpu.memory_space<vmem>>, vector<1x128xi32>
    %swap3A_140 = vector.shape_cast %swap3A_139 : vector<1x128xi32> to vector<128xi32>
    %swap3A_141 = vector.shape_cast %convert_element_type3A_136 : vector<128xi32> to vector<1x128xi32>
    tpu.vector_store %arg8[%swap3A_137, %swap3A_138], %swap3A_141 {strides = array<i32>} : memref<1x2048xi32, #tpu.memory_space<vmem>>, vector<1x128xi32>,
    %reduce_sum3A_142 = arith.constant dense<0.000000e+00> : vector<64xf32>
    %reduce_sum3A_143 = vector.multi_reduction <add>, %slice3A_112, %reduce_sum3A_142 [0] : vector<128x64xf32> to vector<64xf32>
    %broadcast_in_dim3A_144 = vector.shape_cast %reduce_sum3A_143 : vector<64xf32> to vector<1x64xf32>
    %add3A_145 = arith.addf %add3A_111, %broadcast_in_dim3A_144 : vector<1x64xf32>
    %slice3A_146 = vector.extract_strided_slice %convert_element_type3A_17 {offsets = [384, 0], sizes = [128, 64], strides = [1, 1]} : vector<2048x64xf32> to vector<128x64xf32>
    %dot_general3A_147 = arith.constant dense<0.000000e+00> : vector<128x64xf32>
    %dot_general3A_148 = tpu.matmul %select_n3A_43, %slice3A_146, %dot_general3A_147 {dimension_numbers = #tpu.dot_dimension_numbers<[1], [0], [0], [1], [0, 0, 1, 1], [], []>, transpose_lhs_hint = false} : vector<128x128xf32>, vector<128x64xf32>, vector<128x64xf32> -> vector<128x64xf32>
    %add3A_149 = vector.broadcast %add3A_145 : vector<1x64xf32> to vector<128x64xf32>
    %add3A_150 = arith.addf %dot_general3A_148, %add3A_149 : vector<128x64xf32>
    %broadcast_in_dim3A_151 = vector.shape_cast %reduce_sum3A_35 : vector<64xf32> to vector<1x64xf32>
    %add3A_152 = vector.broadcast %broadcast_in_dim3A_151 : vector<1x64xf32> to vector<128x64xf32>
    %add3A_153 = arith.addf %add3A_150, %add3A_152 : vector<128x64xf32>
    %mul3A_154 = arith.mulf %add3A_153, %slice3A_146 : vector<128x64xf32>
    %reduce_sum3A_155 = arith.constant dense<0.000000e+00> : vector<128xf32>
    %reduce_sum3A_156 = vector.multi_reduction <add>, %mul3A_154, %reduce_sum3A_155 [1] : vector<128x64xf32> to vector<128xf32>
    %convert_element_type3A_157 = arith.fptosi %reduce_sum3A_156 : vector<128xf32> to vector<128xi32>
    %swap3A_158 = arith.constant 0 : index
    %swap3A_159 = arith.constant 384 : index
    %swap3A_160 = vector.load %arg7[%swap3A_158, %swap3A_159] : memref<1x2048xi32, #tpu.memory_space<vmem>>, vector<1x128xi32>
    %swap3A_161 = vector.shape_cast %swap3A_160 : vector<1x128xi32> to vector<128xi32>
    %swap3A_162 = vector.shape_cast %convert_element_type3A_157 : vector<128xi32> to vector<1x128xi32>
    tpu.vector_store %arg7[%swap3A_158, %swap3A_159], %swap3A_162 {strides = array<i32>} : memref<1x2048xi32, #tpu.memory_space<vmem>>, vector<1x128xi32>,
    %slice3A_163 = vector.extract_strided_slice %slice3A_146 {offsets = [0, 32], sizes = [128, 32], strides = [1, 1]} : vector<128x64xf32> to vector<128x32xf32>
    %reduce_sum3A_164 = arith.constant dense<0.000000e+00> : vector<128xf32>
    %reduce_sum3A_165 = vector.multi_reduction <add>, %slice3A_163, %reduce_sum3A_164 [1] : vector<128x32xf32> to vector<128xf32>
    %mul3A_166 = arith.constant 2.560000e+03 : f32
    %mul3A_167 = vector.broadcast %mul3A_166 : f32 to vector<128xf32>
    %mul3A_168 = arith.mulf %mul3A_167, %reduce_sum3A_165 : vector<128xf32>
    %add3A_169 = arith.addf %reduce_sum3A_156, %mul3A_168 : vector<128xf32>
    %convert_element_type3A_170 = arith.fptosi %add3A_169 : vector<128xf32> to vector<128xi32>
    %swap3A_171 = arith.constant 0 : index
    %swap3A_172 = arith.constant 384 : index
    %swap3A_173 = vector.load %arg8[%swap3A_171, %swap3A_172] : memref<1x2048xi32, #tpu.memory_space<vmem>>, vector<1x128xi32>
    %swap3A_174 = vector.shape_cast %swap3A_173 : vector<1x128xi32> to vector<128xi32>
    %swap3A_175 = vector.shape_cast %convert_element_type3A_170 : vector<128xi32> to vector<1x128xi32>
    tpu.vector_store %arg8[%swap3A_171, %swap3A_172], %swap3A_175 {strides = array<i32>} : memref<1x2048xi32, #tpu.memory_space<vmem>>, vector<1x128xi32>,
    %reduce_sum3A_176 = arith.constant dense<0.000000e+00> : vector<64xf32>
    %reduce_sum3A_177 = vector.multi_reduction <add>, %slice3A_146, %reduce_sum3A_176 [0] : vector<128x64xf32> to vector<64xf32>
    %broadcast_in_dim3A_178 = vector.shape_cast %reduce_sum3A_177 : vector<64xf32> to vector<1x64xf32>
    %add3A_179 = arith.addf %add3A_145, %broadcast_in_dim3A_178 : vector<1x64xf32>
    %slice3A_180 = vector.extract_strided_slice %convert_element_type3A_17 {offsets = [512, 0], sizes = [128, 64], strides = [1, 1]} : vector<2048x64xf32> to vector<128x64xf32>
    %dot_general3A_181 = arith.constant dense<0.000000e+00> : vector<128x64xf32>
    %dot_general3A_182 = tpu.matmul %select_n3A_43, %slice3A_180, %dot_general3A_181 {dimension_numbers = #tpu.dot_dimension_numbers<[1], [0], [0], [1], [0, 0, 1, 1], [], []>, transpose_lhs_hint = false} : vector<128x128xf32>, vector<128x64xf32>, vector<128x64xf32> -> vector<128x64xf32>
    %add3A_183 = vector.broadcast %add3A_179 : vector<1x64xf32> to vector<128x64xf32>
    %add3A_184 = arith.addf %dot_general3A_182, %add3A_183 : vector<128x64xf32>
    %broadcast_in_dim3A_185 = vector.shape_cast %reduce_sum3A_35 : vector<64xf32> to vector<1x64xf32>
    %add3A_186 = vector.broadcast %broadcast_in_dim3A_185 : vector<1x64xf32> to vector<128x64xf32>
    %add3A_187 = arith.addf %add3A_184, %add3A_186 : vector<128x64xf32>
    %mul3A_188 = arith.mulf %add3A_187, %slice3A_180 : vector<128x64xf32>
    %reduce_sum3A_189 = arith.constant dense<0.000000e+00> : vector<128xf32>
    %reduce_sum3A_190 = vector.multi_reduction <add>, %mul3A_188, %reduce_sum3A_189 [1] : vector<128x64xf32> to vector<128xf32>
    %convert_element_type3A_191 = arith.fptosi %reduce_sum3A_190 : vector<128xf32> to vector<128xi32>
    %swap3A_192 = arith.constant 0 : index
    %swap3A_193 = arith.constant 512 : index
    %swap3A_194 = vector.load %arg7[%swap3A_192, %swap3A_193] : memref<1x2048xi32, #tpu.memory_space<vmem>>, vector<1x128xi32>
    %swap3A_195 = vector.shape_cast %swap3A_194 : vector<1x128xi32> to vector<128xi32>
    %swap3A_196 = vector.shape_cast %convert_element_type3A_191 : vector<128xi32> to vector<1x128xi32>
    tpu.vector_store %arg7[%swap3A_192, %swap3A_193], %swap3A_196 {strides = array<i32>} : memref<1x2048xi32, #tpu.memory_space<vmem>>, vector<1x128xi32>,
    %slice3A_197 = vector.extract_strided_slice %slice3A_180 {offsets = [0, 32], sizes = [128, 32], strides = [1, 1]} : vector<128x64xf32> to vector<128x32xf32>
    %reduce_sum3A_198 = arith.constant dense<0.000000e+00> : vector<128xf32>
    %reduce_sum3A_199 = vector.multi_reduction <add>, %slice3A_197, %reduce_sum3A_198 [1] : vector<128x32xf32> to vector<128xf32>
    %mul3A_200 = arith.constant 2.560000e+03 : f32
    %mul3A_201 = vector.broadcast %mul3A_200 : f32 to vector<128xf32>
    %mul3A_202 = arith.mulf %mul3A_201, %reduce_sum3A_199 : vector<128xf32>
    %add3A_203 = arith.addf %reduce_sum3A_190, %mul3A_202 : vector<128xf32>
    %convert_element_type3A_204 = arith.fptosi %add3A_203 : vector<128xf32> to vector<128xi32>
    %swap3A_205 = arith.constant 0 : index
    %swap3A_206 = arith.constant 512 : index
    %swap3A_207 = vector.load %arg8[%swap3A_205, %swap3A_206] : memref<1x2048xi32, #tpu.memory_space<vmem>>, vector<1x128xi32>
    %swap3A_208 = vector.shape_cast %swap3A_207 : vector<1x128xi32> to vector<128xi32>
    %swap3A_209 = vector.shape_cast %convert_element_type3A_204 : vector<128xi32> to vector<1x128xi32>
    tpu.vector_store %arg8[%swap3A_205, %swap3A_206], %swap3A_209 {strides = array<i32>} : memref<1x2048xi32, #tpu.memory_space<vmem>>, vector<1x128xi32>,
    %reduce_sum3A_210 = arith.constant dense<0.000000e+00> : vector<64xf32>
    %reduce_sum3A_211 = vector.multi_reduction <add>, %slice3A_180, %reduce_sum3A_210 [0] : vector<128x64xf32> to vector<64xf32>
    %broadcast_in_dim3A_212 = vector.shape_cast %reduce_sum3A_211 : vector<64xf32> to vector<1x64xf32>
    %add3A_213 = arith.addf %add3A_179, %broadcast_in_dim3A_212 : vector<1x64xf32>
    %slice3A_214 = vector.extract_strided_slice %convert_element_type3A_17 {offsets = [640, 0], sizes = [128, 64], strides = [1, 1]} : vector<2048x64xf32> to vector<128x64xf32>
    %dot_general3A_215 = arith.constant dense<0.000000e+00> : vector<128x64xf32>
    %dot_general3A_216 = tpu.matmul %select_n3A_43, %slice3A_214, %dot_general3A_215 {dimension_numbers = #tpu.dot_dimension_numbers<[1], [0], [0], [1], [0, 0, 1, 1], [], []>, transpose_lhs_hint = false} : vector<128x128xf32>, vector<128x64xf32>, vector<128x64xf32> -> vector<128x64xf32>
    %add3A_217 = vector.broadcast %add3A_213 : vector<1x64xf32> to vector<128x64xf32>
    %add3A_218 = arith.addf %dot_general3A_216, %add3A_217 : vector<128x64xf32>
    %broadcast_in_dim3A_219 = vector.shape_cast %reduce_sum3A_35 : vector<64xf32> to vector<1x64xf32>
    %add3A_220 = vector.broadcast %broadcast_in_dim3A_219 : vector<1x64xf32> to vector<128x64xf32>
    %add3A_221 = arith.addf %add3A_218, %add3A_220 : vector<128x64xf32>
    %mul3A_222 = arith.mulf %add3A_221, %slice3A_214 : vector<128x64xf32>
    %reduce_sum3A_223 = arith.constant dense<0.000000e+00> : vector<128xf32>
    %reduce_sum3A_224 = vector.multi_reduction <add>, %mul3A_222, %reduce_sum3A_223 [1] : vector<128x64xf32> to vector<128xf32>
    %convert_element_type3A_225 = arith.fptosi %reduce_sum3A_224 : vector<128xf32> to vector<128xi32>
    %swap3A_226 = arith.constant 0 : index
    %swap3A_227 = arith.constant 640 : index
    %swap3A_228 = vector.load %arg7[%swap3A_226, %swap3A_227] : memref<1x2048xi32, #tpu.memory_space<vmem>>, vector<1x128xi32>
    %swap3A_229 = vector.shape_cast %swap3A_228 : vector<1x128xi32> to vector<128xi32>
    %swap3A_230 = vector.shape_cast %convert_element_type3A_225 : vector<128xi32> to vector<1x128xi32>
    tpu.vector_store %arg7[%swap3A_226, %swap3A_227], %swap3A_230 {strides = array<i32>} : memref<1x2048xi32, #tpu.memory_space<vmem>>, vector<1x128xi32>,
    %slice3A_231 = vector.extract_strided_slice %slice3A_214 {offsets = [0, 32], sizes = [128, 32], strides = [1, 1]} : vector<128x64xf32> to vector<128x32xf32>
    %reduce_sum3A_232 = arith.constant dense<0.000000e+00> : vector<128xf32>
    %reduce_sum3A_233 = vector.multi_reduction <add>, %slice3A_231, %reduce_sum3A_232 [1] : vector<128x32xf32> to vector<128xf32>
    %mul3A_234 = arith.constant 2.560000e+03 : f32
    %mul3A_235 = vector.broadcast %mul3A_234 : f32 to vector<128xf32>
    %mul3A_236 = arith.mulf %mul3A_235, %reduce_sum3A_233 : vector<128xf32>
    %add3A_237 = arith.addf %reduce_sum3A_224, %mul3A_236 : vector<128xf32>
    %convert_element_type3A_238 = arith.fptosi %add3A_237 : vector<128xf32> to vector<128xi32>
    %swap3A_239 = arith.constant 0 : index
    %swap3A_240 = arith.constant 640 : index
    %swap3A_241 = vector.load %arg8[%swap3A_239, %swap3A_240] : memref<1x2048xi32, #tpu.memory_space<vmem>>, vector<1x128xi32>
    %swap3A_242 = vector.shape_cast %swap3A_241 : vector<1x128xi32> to vector<128xi32>
    %swap3A_243 = vector.shape_cast %convert_element_type3A_238 : vector<128xi32> to vector<1x128xi32>
    tpu.vector_store %arg8[%swap3A_239, %swap3A_240], %swap3A_243 {strides = array<i32>} : memref<1x2048xi32, #tpu.memory_space<vmem>>, vector<1x128xi32>,
    %reduce_sum3A_244 = arith.constant dense<0.000000e+00> : vector<64xf32>
    %reduce_sum3A_245 = vector.multi_reduction <add>, %slice3A_214, %reduce_sum3A_244 [0] : vector<128x64xf32> to vector<64xf32>
    %broadcast_in_dim3A_246 = vector.shape_cast %reduce_sum3A_245 : vector<64xf32> to vector<1x64xf32>
    %add3A_247 = arith.addf %add3A_213, %broadcast_in_dim3A_246 : vector<1x64xf32>
    %slice3A_248 = vector.extract_strided_slice %convert_element_type3A_17 {offsets = [768, 0], sizes = [128, 64], strides = [1, 1]} : vector<2048x64xf32> to vector<128x64xf32>
    %dot_general3A_249 = arith.constant dense<0.000000e+00> : vector<128x64xf32>
    %dot_general3A_250 = tpu.matmul %select_n3A_43, %slice3A_248, %dot_general3A_249 {dimension_numbers = #tpu.dot_dimension_numbers<[1], [0], [0], [1], [0, 0, 1, 1], [], []>, transpose_lhs_hint = false} : vector<128x128xf32>, vector<128x64xf32>, vector<128x64xf32> -> vector<128x64xf32>
    %add3A_251 = vector.broadcast %add3A_247 : vector<1x64xf32> to vector<128x64xf32>
    %add3A_252 = arith.addf %dot_general3A_250, %add3A_251 : vector<128x64xf32>
    %broadcast_in_dim3A_253 = vector.shape_cast %reduce_sum3A_35 : vector<64xf32> to vector<1x64xf32>
    %add3A_254 = vector.broadcast %broadcast_in_dim3A_253 : vector<1x64xf32> to vector<128x64xf32>
    %add3A_255 = arith.addf %add3A_252, %add3A_254 : vector<128x64xf32>
    %mul3A_256 = arith.mulf %add3A_255, %slice3A_248 : vector<128x64xf32>
    %reduce_sum3A_257 = arith.constant dense<0.000000e+00> : vector<128xf32>
    %reduce_sum3A_258 = vector.multi_reduction <add>, %mul3A_256, %reduce_sum3A_257 [1] : vector<128x64xf32> to vector<128xf32>
    %convert_element_type3A_259 = arith.fptosi %reduce_sum3A_258 : vector<128xf32> to vector<128xi32>
    %swap3A_260 = arith.constant 0 : index
    %swap3A_261 = arith.constant 768 : index
    %swap3A_262 = vector.load %arg7[%swap3A_260, %swap3A_261] : memref<1x2048xi32, #tpu.memory_space<vmem>>, vector<1x128xi32>
    %swap3A_263 = vector.shape_cast %swap3A_262 : vector<1x128xi32> to vector<128xi32>
    %swap3A_264 = vector.shape_cast %convert_element_type3A_259 : vector<128xi32> to vector<1x128xi32>
    tpu.vector_store %arg7[%swap3A_260, %swap3A_261], %swap3A_264 {strides = array<i32>} : memref<1x2048xi32, #tpu.memory_space<vmem>>, vector<1x128xi32>,
    %slice3A_265 = vector.extract_strided_slice %slice3A_248 {offsets = [0, 32], sizes = [128, 32], strides = [1, 1]} : vector<128x64xf32> to vector<128x32xf32>
    %reduce_sum3A_266 = arith.constant dense<0.000000e+00> : vector<128xf32>
    %reduce_sum3A_267 = vector.multi_reduction <add>, %slice3A_265, %reduce_sum3A_266 [1] : vector<128x32xf32> to vector<128xf32>
    %mul3A_268 = arith.constant 2.560000e+03 : f32
    %mul3A_269 = vector.broadcast %mul3A_268 : f32 to vector<128xf32>
    %mul3A_270 = arith.mulf %mul3A_269, %reduce_sum3A_267 : vector<128xf32>
    %add3A_271 = arith.addf %reduce_sum3A_258, %mul3A_270 : vector<128xf32>
    %convert_element_type3A_272 = arith.fptosi %add3A_271 : vector<128xf32> to vector<128xi32>
    %swap3A_273 = arith.constant 0 : index
    %swap3A_274 = arith.constant 768 : index
    %swap3A_275 = vector.load %arg8[%swap3A_273, %swap3A_274] : memref<1x2048xi32, #tpu.memory_space<vmem>>, vector<1x128xi32>
    %swap3A_276 = vector.shape_cast %swap3A_275 : vector<1x128xi32> to vector<128xi32>
    %swap3A_277 = vector.shape_cast %convert_element_type3A_272 : vector<128xi32> to vector<1x128xi32>
    tpu.vector_store %arg8[%swap3A_273, %swap3A_274], %swap3A_277 {strides = array<i32>} : memref<1x2048xi32, #tpu.memory_space<vmem>>, vector<1x128xi32>,
    %reduce_sum3A_278 = arith.constant dense<0.000000e+00> : vector<64xf32>
    %reduce_sum3A_279 = vector.multi_reduction <add>, %slice3A_248, %reduce_sum3A_278 [0] : vector<128x64xf32> to vector<64xf32>
    %broadcast_in_dim3A_280 = vector.shape_cast %reduce_sum3A_279 : vector<64xf32> to vector<1x64xf32>
    %add3A_281 = arith.addf %add3A_247, %broadcast_in_dim3A_280 : vector<1x64xf32>
    %slice3A_282 = vector.extract_strided_slice %convert_element_type3A_17 {offsets = [896, 0], sizes = [128, 64], strides = [1, 1]} : vector<2048x64xf32> to vector<128x64xf32>
    %dot_general3A_283 = arith.constant dense<0.000000e+00> : vector<128x64xf32>
    %dot_general3A_284 = tpu.matmul %select_n3A_43, %slice3A_282, %dot_general3A_283 {dimension_numbers = #tpu.dot_dimension_numbers<[1], [0], [0], [1], [0, 0, 1, 1], [], []>, transpose_lhs_hint = false} : vector<128x128xf32>, vector<128x64xf32>, vector<128x64xf32> -> vector<128x64xf32>
    %add3A_285 = vector.broadcast %add3A_281 : vector<1x64xf32> to vector<128x64xf32>
    %add3A_286 = arith.addf %dot_general3A_284, %add3A_285 : vector<128x64xf32>
    %broadcast_in_dim3A_287 = vector.shape_cast %reduce_sum3A_35 : vector<64xf32> to vector<1x64xf32>
    %add3A_288 = vector.broadcast %broadcast_in_dim3A_287 : vector<1x64xf32> to vector<128x64xf32>
    %add3A_289 = arith.addf %add3A_286, %add3A_288 : vector<128x64xf32>
    %mul3A_290 = arith.mulf %add3A_289, %slice3A_282 : vector<128x64xf32>
    %reduce_sum3A_291 = arith.constant dense<0.000000e+00> : vector<128xf32>
    %reduce_sum3A_292 = vector.multi_reduction <add>, %mul3A_290, %reduce_sum3A_291 [1] : vector<128x64xf32> to vector<128xf32>
    %convert_element_type3A_293 = arith.fptosi %reduce_sum3A_292 : vector<128xf32> to vector<128xi32>
    %swap3A_294 = arith.constant 0 : index
    %swap3A_295 = arith.constant 896 : index
    %swap3A_296 = vector.load %arg7[%swap3A_294, %swap3A_295] : memref<1x2048xi32, #tpu.memory_space<vmem>>, vector<1x128xi32>
    %swap3A_297 = vector.shape_cast %swap3A_296 : vector<1x128xi32> to vector<128xi32>
    %swap3A_298 = vector.shape_cast %convert_element_type3A_293 : vector<128xi32> to vector<1x128xi32>
    tpu.vector_store %arg7[%swap3A_294, %swap3A_295], %swap3A_298 {strides = array<i32>} : memref<1x2048xi32, #tpu.memory_space<vmem>>, vector<1x128xi32>,
    %slice3A_299 = vector.extract_strided_slice %slice3A_282 {offsets = [0, 32], sizes = [128, 32], strides = [1, 1]} : vector<128x64xf32> to vector<128x32xf32>
    %reduce_sum3A_300 = arith.constant dense<0.000000e+00> : vector<128xf32>
    %reduce_sum3A_301 = vector.multi_reduction <add>, %slice3A_299, %reduce_sum3A_300 [1] : vector<128x32xf32> to vector<128xf32>
    %mul3A_302 = arith.constant 2.560000e+03 : f32
    %mul3A_303 = vector.broadcast %mul3A_302 : f32 to vector<128xf32>
    %mul3A_304 = arith.mulf %mul3A_303, %reduce_sum3A_301 : vector<128xf32>
    %add3A_305 = arith.addf %reduce_sum3A_292, %mul3A_304 : vector<128xf32>
    %convert_element_type3A_306 = arith.fptosi %add3A_305 : vector<128xf32> to vector<128xi32>
    %swap3A_307 = arith.constant 0 : index
    %swap3A_308 = arith.constant 896 : index
    %swap3A_309 = vector.load %arg8[%swap3A_307, %swap3A_308] : memref<1x2048xi32, #tpu.memory_space<vmem>>, vector<1x128xi32>
    %swap3A_310 = vector.shape_cast %swap3A_309 : vector<1x128xi32> to vector<128xi32>
    %swap3A_311 = vector.shape_cast %convert_element_type3A_306 : vector<128xi32> to vector<1x128xi32>
    tpu.vector_store %arg8[%swap3A_307, %swap3A_308], %swap3A_311 {strides = array<i32>} : memref<1x2048xi32, #tpu.memory_space<vmem>>, vector<1x128xi32>,
    %reduce_sum3A_312 = arith.constant dense<0.000000e+00> : vector<64xf32>
    %reduce_sum3A_313 = vector.multi_reduction <add>, %slice3A_282, %reduce_sum3A_312 [0] : vector<128x64xf32> to vector<64xf32>
    %broadcast_in_dim3A_314 = vector.shape_cast %reduce_sum3A_313 : vector<64xf32> to vector<1x64xf32>
    %add3A_315 = arith.addf %add3A_281, %broadcast_in_dim3A_314 : vector<1x64xf32>
    %slice3A_316 = vector.extract_strided_slice %convert_element_type3A_17 {offsets = [1024, 0], sizes = [128, 64], strides = [1, 1]} : vector<2048x64xf32> to vector<128x64xf32>
    %dot_general3A_317 = arith.constant dense<0.000000e+00> : vector<128x64xf32>
    %dot_general3A_318 = tpu.matmul %select_n3A_43, %slice3A_316, %dot_general3A_317 {dimension_numbers = #tpu.dot_dimension_numbers<[1], [0], [0], [1], [0, 0, 1, 1], [], []>, transpose_lhs_hint = false} : vector<128x128xf32>, vector<128x64xf32>, vector<128x64xf32> -> vector<128x64xf32>
    %add3A_319 = vector.broadcast %add3A_315 : vector<1x64xf32> to vector<128x64xf32>
    %add3A_320 = arith.addf %dot_general3A_318, %add3A_319 : vector<128x64xf32>
    %broadcast_in_dim3A_321 = vector.shape_cast %reduce_sum3A_35 : vector<64xf32> to vector<1x64xf32>
    %add3A_322 = vector.broadcast %broadcast_in_dim3A_321 : vector<1x64xf32> to vector<128x64xf32>
    %add3A_323 = arith.addf %add3A_320, %add3A_322 : vector<128x64xf32>
    %mul3A_324 = arith.mulf %add3A_323, %slice3A_316 : vector<128x64xf32>
    %reduce_sum3A_325 = arith.constant dense<0.000000e+00> : vector<128xf32>
    %reduce_sum3A_326 = vector.multi_reduction <add>, %mul3A_324, %reduce_sum3A_325 [1] : vector<128x64xf32> to vector<128xf32>
    %convert_element_type3A_327 = arith.fptosi %reduce_sum3A_326 : vector<128xf32> to vector<128xi32>
    %swap3A_328 = arith.constant 0 : index
    %swap3A_329 = arith.constant 1024 : index
    %swap3A_330 = vector.load %arg7[%swap3A_328, %swap3A_329] : memref<1x2048xi32, #tpu.memory_space<vmem>>, vector<1x128xi32>
    %swap3A_331 = vector.shape_cast %swap3A_330 : vector<1x128xi32> to vector<128xi32>
    %swap3A_332 = vector.shape_cast %convert_element_type3A_327 : vector<128xi32> to vector<1x128xi32>
    tpu.vector_store %arg7[%swap3A_328, %swap3A_329], %swap3A_332 {strides = array<i32>} : memref<1x2048xi32, #tpu.memory_space<vmem>>, vector<1x128xi32>,
    %slice3A_333 = vector.extract_strided_slice %slice3A_316 {offsets = [0, 32], sizes = [128, 32], strides = [1, 1]} : vector<128x64xf32> to vector<128x32xf32>
    %reduce_sum3A_334 = arith.constant dense<0.000000e+00> : vector<128xf32>
    %reduce_sum3A_335 = vector.multi_reduction <add>, %slice3A_333, %reduce_sum3A_334 [1] : vector<128x32xf32> to vector<128xf32>
    %mul3A_336 = arith.constant 2.560000e+03 : f32
    %mul3A_337 = vector.broadcast %mul3A_336 : f32 to vector<128xf32>
    %mul3A_338 = arith.mulf %mul3A_337, %reduce_sum3A_335 : vector<128xf32>
    %add3A_339 = arith.addf %reduce_sum3A_326, %mul3A_338 : vector<128xf32>
    %convert_element_type3A_340 = arith.fptosi %add3A_339 : vector<128xf32> to vector<128xi32>
    %swap3A_341 = arith.constant 0 : index
    %swap3A_342 = arith.constant 1024 : index
    %swap3A_343 = vector.load %arg8[%swap3A_341, %swap3A_342] : memref<1x2048xi32, #tpu.memory_space<vmem>>, vector<1x128xi32>
    %swap3A_344 = vector.shape_cast %swap3A_343 : vector<1x128xi32> to vector<128xi32>
    %swap3A_345 = vector.shape_cast %convert_element_type3A_340 : vector<128xi32> to vector<1x128xi32>
    tpu.vector_store %arg8[%swap3A_341, %swap3A_342], %swap3A_345 {strides = array<i32>} : memref<1x2048xi32, #tpu.memory_space<vmem>>, vector<1x128xi32>,
    %reduce_sum3A_346 = arith.constant dense<0.000000e+00> : vector<64xf32>
    %reduce_sum3A_347 = vector.multi_reduction <add>, %slice3A_316, %reduce_sum3A_346 [0] : vector<128x64xf32> to vector<64xf32>
    %broadcast_in_dim3A_348 = vector.shape_cast %reduce_sum3A_347 : vector<64xf32> to vector<1x64xf32>
    %add3A_349 = arith.addf %add3A_315, %broadcast_in_dim3A_348 : vector<1x64xf32>
    %slice3A_350 = vector.extract_strided_slice %convert_element_type3A_17 {offsets = [1152, 0], sizes = [128, 64], strides = [1, 1]} : vector<2048x64xf32> to vector<128x64xf32>
    %dot_general3A_351 = arith.constant dense<0.000000e+00> : vector<128x64xf32>
    %dot_general3A_352 = tpu.matmul %select_n3A_43, %slice3A_350, %dot_general3A_351 {dimension_numbers = #tpu.dot_dimension_numbers<[1], [0], [0], [1], [0, 0, 1, 1], [], []>, transpose_lhs_hint = false} : vector<128x128xf32>, vector<128x64xf32>, vector<128x64xf32> -> vector<128x64xf32>
    %add3A_353 = vector.broadcast %add3A_349 : vector<1x64xf32> to vector<128x64xf32>
    %add3A_354 = arith.addf %dot_general3A_352, %add3A_353 : vector<128x64xf32>
    %broadcast_in_dim3A_355 = vector.shape_cast %reduce_sum3A_35 : vector<64xf32> to vector<1x64xf32>
    %add3A_356 = vector.broadcast %broadcast_in_dim3A_355 : vector<1x64xf32> to vector<128x64xf32>
    %add3A_357 = arith.addf %add3A_354, %add3A_356 : vector<128x64xf32>
    %mul3A_358 = arith.mulf %add3A_357, %slice3A_350 : vector<128x64xf32>
    %reduce_sum3A_359 = arith.constant dense<0.000000e+00> : vector<128xf32>
    %reduce_sum3A_360 = vector.multi_reduction <add>, %mul3A_358, %reduce_sum3A_359 [1] : vector<128x64xf32> to vector<128xf32>
    %convert_element_type3A_361 = arith.fptosi %reduce_sum3A_360 : vector<128xf32> to vector<128xi32>
    %swap3A_362 = arith.constant 0 : index
    %swap3A_363 = arith.constant 1152 : index
    %swap3A_364 = vector.load %arg7[%swap3A_362, %swap3A_363] : memref<1x2048xi32, #tpu.memory_space<vmem>>, vector<1x128xi32>
    %swap3A_365 = vector.shape_cast %swap3A_364 : vector<1x128xi32> to vector<128xi32>
    %swap3A_366 = vector.shape_cast %convert_element_type3A_361 : vector<128xi32> to vector<1x128xi32>
    tpu.vector_store %arg7[%swap3A_362, %swap3A_363], %swap3A_366 {strides = array<i32>} : memref<1x2048xi32, #tpu.memory_space<vmem>>, vector<1x128xi32>,
    %slice3A_367 = vector.extract_strided_slice %slice3A_350 {offsets = [0, 32], sizes = [128, 32], strides = [1, 1]} : vector<128x64xf32> to vector<128x32xf32>
    %reduce_sum3A_368 = arith.constant dense<0.000000e+00> : vector<128xf32>
    %reduce_sum3A_369 = vector.multi_reduction <add>, %slice3A_367, %reduce_sum3A_368 [1] : vector<128x32xf32> to vector<128xf32>
    %mul3A_370 = arith.constant 2.560000e+03 : f32
    %mul3A_371 = vector.broadcast %mul3A_370 : f32 to vector<128xf32>
    %mul3A_372 = arith.mulf %mul3A_371, %reduce_sum3A_369 : vector<128xf32>
    %add3A_373 = arith.addf %reduce_sum3A_360, %mul3A_372 : vector<128xf32>
    %convert_element_type3A_374 = arith.fptosi %add3A_373 : vector<128xf32> to vector<128xi32>
    %swap3A_375 = arith.constant 0 : index
    %swap3A_376 = arith.constant 1152 : index
    %swap3A_377 = vector.load %arg8[%swap3A_375, %swap3A_376] : memref<1x2048xi32, #tpu.memory_space<vmem>>, vector<1x128xi32>
    %swap3A_378 = vector.shape_cast %swap3A_377 : vector<1x128xi32> to vector<128xi32>
    %swap3A_379 = vector.shape_cast %convert_element_type3A_374 : vector<128xi32> to vector<1x128xi32>
    tpu.vector_store %arg8[%swap3A_375, %swap3A_376], %swap3A_379 {strides = array<i32>} : memref<1x2048xi32, #tpu.memory_space<vmem>>, vector<1x128xi32>,
    %reduce_sum3A_380 = arith.constant dense<0.000000e+00> : vector<64xf32>
    %reduce_sum3A_381 = vector.multi_reduction <add>, %slice3A_350, %reduce_sum3A_380 [0] : vector<128x64xf32> to vector<64xf32>
    %broadcast_in_dim3A_382 = vector.shape_cast %reduce_sum3A_381 : vector<64xf32> to vector<1x64xf32>
    %add3A_383 = arith.addf %add3A_349, %broadcast_in_dim3A_382 : vector<1x64xf32>
    %slice3A_384 = vector.extract_strided_slice %convert_element_type3A_17 {offsets = [1280, 0], sizes = [128, 64], strides = [1, 1]} : vector<2048x64xf32> to vector<128x64xf32>
    %dot_general3A_385 = arith.constant dense<0.000000e+00> : vector<128x64xf32>
    %dot_general3A_386 = tpu.matmul %select_n3A_43, %slice3A_384, %dot_general3A_385 {dimension_numbers = #tpu.dot_dimension_numbers<[1], [0], [0], [1], [0, 0, 1, 1], [], []>, transpose_lhs_hint = false} : vector<128x128xf32>, vector<128x64xf32>, vector<128x64xf32> -> vector<128x64xf32>
    %add3A_387 = vector.broadcast %add3A_383 : vector<1x64xf32> to vector<128x64xf32>
    %add3A_388 = arith.addf %dot_general3A_386, %add3A_387 : vector<128x64xf32>
    %broadcast_in_dim3A_389 = vector.shape_cast %reduce_sum3A_35 : vector<64xf32> to vector<1x64xf32>
    %add3A_390 = vector.broadcast %broadcast_in_dim3A_389 : vector<1x64xf32> to vector<128x64xf32>
    %add3A_391 = arith.addf %add3A_388, %add3A_390 : vector<128x64xf32>
    %mul3A_392 = arith.mulf %add3A_391, %slice3A_384 : vector<128x64xf32>
    %reduce_sum3A_393 = arith.constant dense<0.000000e+00> : vector<128xf32>
    %reduce_sum3A_394 = vector.multi_reduction <add>, %mul3A_392, %reduce_sum3A_393 [1] : vector<128x64xf32> to vector<128xf32>
    %convert_element_type3A_395 = arith.fptosi %reduce_sum3A_394 : vector<128xf32> to vector<128xi32>
    %swap3A_396 = arith.constant 0 : index
    %swap3A_397 = arith.constant 1280 : index
    %swap3A_398 = vector.load %arg7[%swap3A_396, %swap3A_397] : memref<1x2048xi32, #tpu.memory_space<vmem>>, vector<1x128xi32>
    %swap3A_399 = vector.shape_cast %swap3A_398 : vector<1x128xi32> to vector<128xi32>
    %swap3A_400 = vector.shape_cast %convert_element_type3A_395 : vector<128xi32> to vector<1x128xi32>
    tpu.vector_store %arg7[%swap3A_396, %swap3A_397], %swap3A_400 {strides = array<i32>} : memref<1x2048xi32, #tpu.memory_space<vmem>>, vector<1x128xi32>,
    %slice3A_401 = vector.extract_strided_slice %slice3A_384 {offsets = [0, 32], sizes = [128, 32], strides = [1, 1]} : vector<128x64xf32> to vector<128x32xf32>
    %reduce_sum3A_402 = arith.constant dense<0.000000e+00> : vector<128xf32>
    %reduce_sum3A_403 = vector.multi_reduction <add>, %slice3A_401, %reduce_sum3A_402 [1] : vector<128x32xf32> to vector<128xf32>
    %mul3A_404 = arith.constant 2.560000e+03 : f32
    %mul3A_405 = vector.broadcast %mul3A_404 : f32 to vector<128xf32>
    %mul3A_406 = arith.mulf %mul3A_405, %reduce_sum3A_403 : vector<128xf32>
    %add3A_407 = arith.addf %reduce_sum3A_394, %mul3A_406 : vector<128xf32>
    %convert_element_type3A_408 = arith.fptosi %add3A_407 : vector<128xf32> to vector<128xi32>
    %swap3A_409 = arith.constant 0 : index
    %swap3A_410 = arith.constant 1280 : index
    %swap3A_411 = vector.load %arg8[%swap3A_409, %swap3A_410] : memref<1x2048xi32, #tpu.memory_space<vmem>>, vector<1x128xi32>
    %swap3A_412 = vector.shape_cast %swap3A_411 : vector<1x128xi32> to vector<128xi32>
    %swap3A_413 = vector.shape_cast %convert_element_type3A_408 : vector<128xi32> to vector<1x128xi32>
    tpu.vector_store %arg8[%swap3A_409, %swap3A_410], %swap3A_413 {strides = array<i32>} : memref<1x2048xi32, #tpu.memory_space<vmem>>, vector<1x128xi32>,
    %reduce_sum3A_414 = arith.constant dense<0.000000e+00> : vector<64xf32>
    %reduce_sum3A_415 = vector.multi_reduction <add>, %slice3A_384, %reduce_sum3A_414 [0] : vector<128x64xf32> to vector<64xf32>
    %broadcast_in_dim3A_416 = vector.shape_cast %reduce_sum3A_415 : vector<64xf32> to vector<1x64xf32>
    %add3A_417 = arith.addf %add3A_383, %broadcast_in_dim3A_416 : vector<1x64xf32>
    %slice3A_418 = vector.extract_strided_slice %convert_element_type3A_17 {offsets = [1408, 0], sizes = [128, 64], strides = [1, 1]} : vector<2048x64xf32> to vector<128x64xf32>
    %dot_general3A_419 = arith.constant dense<0.000000e+00> : vector<128x64xf32>
    %dot_general3A_420 = tpu.matmul %select_n3A_43, %slice3A_418, %dot_general3A_419 {dimension_numbers = #tpu.dot_dimension_numbers<[1], [0], [0], [1], [0, 0, 1, 1], [], []>, transpose_lhs_hint = false} : vector<128x128xf32>, vector<128x64xf32>, vector<128x64xf32> -> vector<128x64xf32>
    %add3A_421 = vector.broadcast %add3A_417 : vector<1x64xf32> to vector<128x64xf32>
    %add3A_422 = arith.addf %dot_general3A_420, %add3A_421 : vector<128x64xf32>
    %broadcast_in_dim3A_423 = vector.shape_cast %reduce_sum3A_35 : vector<64xf32> to vector<1x64xf32>
    %add3A_424 = vector.broadcast %broadcast_in_dim3A_423 : vector<1x64xf32> to vector<128x64xf32>
    %add3A_425 = arith.addf %add3A_422, %add3A_424 : vector<128x64xf32>
    %mul3A_426 = arith.mulf %add3A_425, %slice3A_418 : vector<128x64xf32>
    %reduce_sum3A_427 = arith.constant dense<0.000000e+00> : vector<128xf32>
    %reduce_sum3A_428 = vector.multi_reduction <add>, %mul3A_426, %reduce_sum3A_427 [1] : vector<128x64xf32> to vector<128xf32>
    %convert_element_type3A_429 = arith.fptosi %reduce_sum3A_428 : vector<128xf32> to vector<128xi32>
    %swap3A_430 = arith.constant 0 : index
    %swap3A_431 = arith.constant 1408 : index
    %swap3A_432 = vector.load %arg7[%swap3A_430, %swap3A_431] : memref<1x2048xi32, #tpu.memory_space<vmem>>, vector<1x128xi32>
    %swap3A_433 = vector.shape_cast %swap3A_432 : vector<1x128xi32> to vector<128xi32>
    %swap3A_434 = vector.shape_cast %convert_element_type3A_429 : vector<128xi32> to vector<1x128xi32>
    tpu.vector_store %arg7[%swap3A_430, %swap3A_431], %swap3A_434 {strides = array<i32>} : memref<1x2048xi32, #tpu.memory_space<vmem>>, vector<1x128xi32>,
    %slice3A_435 = vector.extract_strided_slice %slice3A_418 {offsets = [0, 32], sizes = [128, 32], strides = [1, 1]} : vector<128x64xf32> to vector<128x32xf32>
    %reduce_sum3A_436 = arith.constant dense<0.000000e+00> : vector<128xf32>
    %reduce_sum3A_437 = vector.multi_reduction <add>, %slice3A_435, %reduce_sum3A_436 [1] : vector<128x32xf32> to vector<128xf32>
    %mul3A_438 = arith.constant 2.560000e+03 : f32
    %mul3A_439 = vector.broadcast %mul3A_438 : f32 to vector<128xf32>
    %mul3A_440 = arith.mulf %mul3A_439, %reduce_sum3A_437 : vector<128xf32>
    %add3A_441 = arith.addf %reduce_sum3A_428, %mul3A_440 : vector<128xf32>
    %convert_element_type3A_442 = arith.fptosi %add3A_441 : vector<128xf32> to vector<128xi32>
    %swap3A_443 = arith.constant 0 : index
    %swap3A_444 = arith.constant 1408 : index
    %swap3A_445 = vector.load %arg8[%swap3A_443, %swap3A_444] : memref<1x2048xi32, #tpu.memory_space<vmem>>, vector<1x128xi32>
    %swap3A_446 = vector.shape_cast %swap3A_445 : vector<1x128xi32> to vector<128xi32>
    %swap3A_447 = vector.shape_cast %convert_element_type3A_442 : vector<128xi32> to vector<1x128xi32>
    tpu.vector_store %arg8[%swap3A_443, %swap3A_444], %swap3A_447 {strides = array<i32>} : memref<1x2048xi32, #tpu.memory_space<vmem>>, vector<1x128xi32>,
    %reduce_sum3A_448 = arith.constant dense<0.000000e+00> : vector<64xf32>
    %reduce_sum3A_449 = vector.multi_reduction <add>, %slice3A_418, %reduce_sum3A_448 [0] : vector<128x64xf32> to vector<64xf32>
    %broadcast_in_dim3A_450 = vector.shape_cast %reduce_sum3A_449 : vector<64xf32> to vector<1x64xf32>
    %add3A_451 = arith.addf %add3A_417, %broadcast_in_dim3A_450 : vector<1x64xf32>
    %slice3A_452 = vector.extract_strided_slice %convert_element_type3A_17 {offsets = [1536, 0], sizes = [128, 64], strides = [1, 1]} : vector<2048x64xf32> to vector<128x64xf32>
    %dot_general3A_453 = arith.constant dense<0.000000e+00> : vector<128x64xf32>
    %dot_general3A_454 = tpu.matmul %select_n3A_43, %slice3A_452, %dot_general3A_453 {dimension_numbers = #tpu.dot_dimension_numbers<[1], [0], [0], [1], [0, 0, 1, 1], [], []>, transpose_lhs_hint = false} : vector<128x128xf32>, vector<128x64xf32>, vector<128x64xf32> -> vector<128x64xf32>
    %add3A_455 = vector.broadcast %add3A_451 : vector<1x64xf32> to vector<128x64xf32>
    %add3A_456 = arith.addf %dot_general3A_454, %add3A_455 : vector<128x64xf32>
    %broadcast_in_dim3A_457 = vector.shape_cast %reduce_sum3A_35 : vector<64xf32> to vector<1x64xf32>
    %add3A_458 = vector.broadcast %broadcast_in_dim3A_457 : vector<1x64xf32> to vector<128x64xf32>
    %add3A_459 = arith.addf %add3A_456, %add3A_458 : vector<128x64xf32>
    %mul3A_460 = arith.mulf %add3A_459, %slice3A_452 : vector<128x64xf32>
    %reduce_sum3A_461 = arith.constant dense<0.000000e+00> : vector<128xf32>
    %reduce_sum3A_462 = vector.multi_reduction <add>, %mul3A_460, %reduce_sum3A_461 [1] : vector<128x64xf32> to vector<128xf32>
    %convert_element_type3A_463 = arith.fptosi %reduce_sum3A_462 : vector<128xf32> to vector<128xi32>
    %swap3A_464 = arith.constant 0 : index
    %swap3A_465 = arith.constant 1536 : index
    %swap3A_466 = vector.load %arg7[%swap3A_464, %swap3A_465] : memref<1x2048xi32, #tpu.memory_space<vmem>>, vector<1x128xi32>
    %swap3A_467 = vector.shape_cast %swap3A_466 : vector<1x128xi32> to vector<128xi32>
    %swap3A_468 = vector.shape_cast %convert_element_type3A_463 : vector<128xi32> to vector<1x128xi32>
    tpu.vector_store %arg7[%swap3A_464, %swap3A_465], %swap3A_468 {strides = array<i32>} : memref<1x2048xi32, #tpu.memory_space<vmem>>, vector<1x128xi32>,
    %slice3A_469 = vector.extract_strided_slice %slice3A_452 {offsets = [0, 32], sizes = [128, 32], strides = [1, 1]} : vector<128x64xf32> to vector<128x32xf32>
    %reduce_sum3A_470 = arith.constant dense<0.000000e+00> : vector<128xf32>
    %reduce_sum3A_471 = vector.multi_reduction <add>, %slice3A_469, %reduce_sum3A_470 [1] : vector<128x32xf32> to vector<128xf32>
    %mul3A_472 = arith.constant 2.560000e+03 : f32
    %mul3A_473 = vector.broadcast %mul3A_472 : f32 to vector<128xf32>
    %mul3A_474 = arith.mulf %mul3A_473, %reduce_sum3A_471 : vector<128xf32>
    %add3A_475 = arith.addf %reduce_sum3A_462, %mul3A_474 : vector<128xf32>
    %convert_element_type3A_476 = arith.fptosi %add3A_475 : vector<128xf32> to vector<128xi32>
    %swap3A_477 = arith.constant 0 : index
    %swap3A_478 = arith.constant 1536 : index
    %swap3A_479 = vector.load %arg8[%swap3A_477, %swap3A_478] : memref<1x2048xi32, #tpu.memory_space<vmem>>, vector<1x128xi32>
    %swap3A_480 = vector.shape_cast %swap3A_479 : vector<1x128xi32> to vector<128xi32>
    %swap3A_481 = vector.shape_cast %convert_element_type3A_476 : vector<128xi32> to vector<1x128xi32>
    tpu.vector_store %arg8[%swap3A_477, %swap3A_478], %swap3A_481 {strides = array<i32>} : memref<1x2048xi32, #tpu.memory_space<vmem>>, vector<1x128xi32>,
    %reduce_sum3A_482 = arith.constant dense<0.000000e+00> : vector<64xf32>
    %reduce_sum3A_483 = vector.multi_reduction <add>, %slice3A_452, %reduce_sum3A_482 [0] : vector<128x64xf32> to vector<64xf32>
    %broadcast_in_dim3A_484 = vector.shape_cast %reduce_sum3A_483 : vector<64xf32> to vector<1x64xf32>
    %add3A_485 = arith.addf %add3A_451, %broadcast_in_dim3A_484 : vector<1x64xf32>
    %slice3A_486 = vector.extract_strided_slice %convert_element_type3A_17 {offsets = [1664, 0], sizes = [128, 64], strides = [1, 1]} : vector<2048x64xf32> to vector<128x64xf32>
    %dot_general3A_487 = arith.constant dense<0.000000e+00> : vector<128x64xf32>
    %dot_general3A_488 = tpu.matmul %select_n3A_43, %slice3A_486, %dot_general3A_487 {dimension_numbers = #tpu.dot_dimension_numbers<[1], [0], [0], [1], [0, 0, 1, 1], [], []>, transpose_lhs_hint = false} : vector<128x128xf32>, vector<128x64xf32>, vector<128x64xf32> -> vector<128x64xf32>
    %add3A_489 = vector.broadcast %add3A_485 : vector<1x64xf32> to vector<128x64xf32>
    %add3A_490 = arith.addf %dot_general3A_488, %add3A_489 : vector<128x64xf32>
    %broadcast_in_dim3A_491 = vector.shape_cast %reduce_sum3A_35 : vector<64xf32> to vector<1x64xf32>
    %add3A_492 = vector.broadcast %broadcast_in_dim3A_491 : vector<1x64xf32> to vector<128x64xf32>
    %add3A_493 = arith.addf %add3A_490, %add3A_492 : vector<128x64xf32>
    %mul3A_494 = arith.mulf %add3A_493, %slice3A_486 : vector<128x64xf32>
    %reduce_sum3A_495 = arith.constant dense<0.000000e+00> : vector<128xf32>
    %reduce_sum3A_496 = vector.multi_reduction <add>, %mul3A_494, %reduce_sum3A_495 [1] : vector<128x64xf32> to vector<128xf32>
    %convert_element_type3A_497 = arith.fptosi %reduce_sum3A_496 : vector<128xf32> to vector<128xi32>
    %swap3A_498 = arith.constant 0 : index
    %swap3A_499 = arith.constant 1664 : index
    %swap3A_500 = vector.load %arg7[%swap3A_498, %swap3A_499] : memref<1x2048xi32, #tpu.memory_space<vmem>>, vector<1x128xi32>
    %swap3A_501 = vector.shape_cast %swap3A_500 : vector<1x128xi32> to vector<128xi32>
    %swap3A_502 = vector.shape_cast %convert_element_type3A_497 : vector<128xi32> to vector<1x128xi32>
    tpu.vector_store %arg7[%swap3A_498, %swap3A_499], %swap3A_502 {strides = array<i32>} : memref<1x2048xi32, #tpu.memory_space<vmem>>, vector<1x128xi32>,
    %slice3A_503 = vector.extract_strided_slice %slice3A_486 {offsets = [0, 32], sizes = [128, 32], strides = [1, 1]} : vector<128x64xf32> to vector<128x32xf32>
    %reduce_sum3A_504 = arith.constant dense<0.000000e+00> : vector<128xf32>
    %reduce_sum3A_505 = vector.multi_reduction <add>, %slice3A_503, %reduce_sum3A_504 [1] : vector<128x32xf32> to vector<128xf32>
    %mul3A_506 = arith.constant 2.560000e+03 : f32
    %mul3A_507 = vector.broadcast %mul3A_506 : f32 to vector<128xf32>
    %mul3A_508 = arith.mulf %mul3A_507, %reduce_sum3A_505 : vector<128xf32>
    %add3A_509 = arith.addf %reduce_sum3A_496, %mul3A_508 : vector<128xf32>
    %convert_element_type3A_510 = arith.fptosi %add3A_509 : vector<128xf32> to vector<128xi32>
    %swap3A_511 = arith.constant 0 : index
    %swap3A_512 = arith.constant 1664 : index
    %swap3A_513 = vector.load %arg8[%swap3A_511, %swap3A_512] : memref<1x2048xi32, #tpu.memory_space<vmem>>, vector<1x128xi32>
    %swap3A_514 = vector.shape_cast %swap3A_513 : vector<1x128xi32> to vector<128xi32>
    %swap3A_515 = vector.shape_cast %convert_element_type3A_510 : vector<128xi32> to vector<1x128xi32>
    tpu.vector_store %arg8[%swap3A_511, %swap3A_512], %swap3A_515 {strides = array<i32>} : memref<1x2048xi32, #tpu.memory_space<vmem>>, vector<1x128xi32>,
    %reduce_sum3A_516 = arith.constant dense<0.000000e+00> : vector<64xf32>
    %reduce_sum3A_517 = vector.multi_reduction <add>, %slice3A_486, %reduce_sum3A_516 [0] : vector<128x64xf32> to vector<64xf32>
    %broadcast_in_dim3A_518 = vector.shape_cast %reduce_sum3A_517 : vector<64xf32> to vector<1x64xf32>
    %add3A_519 = arith.addf %add3A_485, %broadcast_in_dim3A_518 : vector<1x64xf32>
    %slice3A_520 = vector.extract_strided_slice %convert_element_type3A_17 {offsets = [1792, 0], sizes = [128, 64], strides = [1, 1]} : vector<2048x64xf32> to vector<128x64xf32>
    %dot_general3A_521 = arith.constant dense<0.000000e+00> : vector<128x64xf32>
    %dot_general3A_522 = tpu.matmul %select_n3A_43, %slice3A_520, %dot_general3A_521 {dimension_numbers = #tpu.dot_dimension_numbers<[1], [0], [0], [1], [0, 0, 1, 1], [], []>, transpose_lhs_hint = false} : vector<128x128xf32>, vector<128x64xf32>, vector<128x64xf32> -> vector<128x64xf32>
    %add3A_523 = vector.broadcast %add3A_519 : vector<1x64xf32> to vector<128x64xf32>
    %add3A_524 = arith.addf %dot_general3A_522, %add3A_523 : vector<128x64xf32>
    %broadcast_in_dim3A_525 = vector.shape_cast %reduce_sum3A_35 : vector<64xf32> to vector<1x64xf32>
    %add3A_526 = vector.broadcast %broadcast_in_dim3A_525 : vector<1x64xf32> to vector<128x64xf32>
    %add3A_527 = arith.addf %add3A_524, %add3A_526 : vector<128x64xf32>
    %mul3A_528 = arith.mulf %add3A_527, %slice3A_520 : vector<128x64xf32>
    %reduce_sum3A_529 = arith.constant dense<0.000000e+00> : vector<128xf32>
    %reduce_sum3A_530 = vector.multi_reduction <add>, %mul3A_528, %reduce_sum3A_529 [1] : vector<128x64xf32> to vector<128xf32>
    %convert_element_type3A_531 = arith.fptosi %reduce_sum3A_530 : vector<128xf32> to vector<128xi32>
    %swap3A_532 = arith.constant 0 : index
    %swap3A_533 = arith.constant 1792 : index
    %swap3A_534 = vector.load %arg7[%swap3A_532, %swap3A_533] : memref<1x2048xi32, #tpu.memory_space<vmem>>, vector<1x128xi32>
    %swap3A_535 = vector.shape_cast %swap3A_534 : vector<1x128xi32> to vector<128xi32>
    %swap3A_536 = vector.shape_cast %convert_element_type3A_531 : vector<128xi32> to vector<1x128xi32>
    tpu.vector_store %arg7[%swap3A_532, %swap3A_533], %swap3A_536 {strides = array<i32>} : memref<1x2048xi32, #tpu.memory_space<vmem>>, vector<1x128xi32>,
    %slice3A_537 = vector.extract_strided_slice %slice3A_520 {offsets = [0, 32], sizes = [128, 32], strides = [1, 1]} : vector<128x64xf32> to vector<128x32xf32>
    %reduce_sum3A_538 = arith.constant dense<0.000000e+00> : vector<128xf32>
    %reduce_sum3A_539 = vector.multi_reduction <add>, %slice3A_537, %reduce_sum3A_538 [1] : vector<128x32xf32> to vector<128xf32>
    %mul3A_540 = arith.constant 2.560000e+03 : f32
    %mul3A_541 = vector.broadcast %mul3A_540 : f32 to vector<128xf32>
    %mul3A_542 = arith.mulf %mul3A_541, %reduce_sum3A_539 : vector<128xf32>
    %add3A_543 = arith.addf %reduce_sum3A_530, %mul3A_542 : vector<128xf32>
    %convert_element_type3A_544 = arith.fptosi %add3A_543 : vector<128xf32> to vector<128xi32>
    %swap3A_545 = arith.constant 0 : index
    %swap3A_546 = arith.constant 1792 : index
    %swap3A_547 = vector.load %arg8[%swap3A_545, %swap3A_546] : memref<1x2048xi32, #tpu.memory_space<vmem>>, vector<1x128xi32>
    %swap3A_548 = vector.shape_cast %swap3A_547 : vector<1x128xi32> to vector<128xi32>
    %swap3A_549 = vector.shape_cast %convert_element_type3A_544 : vector<128xi32> to vector<1x128xi32>
    tpu.vector_store %arg8[%swap3A_545, %swap3A_546], %swap3A_549 {strides = array<i32>} : memref<1x2048xi32, #tpu.memory_space<vmem>>, vector<1x128xi32>,
    %reduce_sum3A_550 = arith.constant dense<0.000000e+00> : vector<64xf32>
    %reduce_sum3A_551 = vector.multi_reduction <add>, %slice3A_520, %reduce_sum3A_550 [0] : vector<128x64xf32> to vector<64xf32>
    %broadcast_in_dim3A_552 = vector.shape_cast %reduce_sum3A_551 : vector<64xf32> to vector<1x64xf32>
    %add3A_553 = arith.addf %add3A_519, %broadcast_in_dim3A_552 : vector<1x64xf32>
    %slice3A_554 = vector.extract_strided_slice %convert_element_type3A_17 {offsets = [1920, 0], sizes = [128, 64], strides = [1, 1]} : vector<2048x64xf32> to vector<128x64xf32>
    %dot_general3A_555 = arith.constant dense<0.000000e+00> : vector<128x64xf32>
    %dot_general3A_556 = tpu.matmul %select_n3A_43, %slice3A_554, %dot_general3A_555 {dimension_numbers = #tpu.dot_dimension_numbers<[1], [0], [0], [1], [0, 0, 1, 1], [], []>, transpose_lhs_hint = false} : vector<128x128xf32>, vector<128x64xf32>, vector<128x64xf32> -> vector<128x64xf32>
    %add3A_557 = vector.broadcast %add3A_553 : vector<1x64xf32> to vector<128x64xf32>
    %add3A_558 = arith.addf %dot_general3A_556, %add3A_557 : vector<128x64xf32>
    %broadcast_in_dim3A_559 = vector.shape_cast %reduce_sum3A_35 : vector<64xf32> to vector<1x64xf32>
    %add3A_560 = vector.broadcast %broadcast_in_dim3A_559 : vector<1x64xf32> to vector<128x64xf32>
    %add3A_561 = arith.addf %add3A_558, %add3A_560 : vector<128x64xf32>
    %mul3A_562 = arith.mulf %add3A_561, %slice3A_554 : vector<128x64xf32>
    %reduce_sum3A_563 = arith.constant dense<0.000000e+00> : vector<128xf32>
    %reduce_sum3A_564 = vector.multi_reduction <add>, %mul3A_562, %reduce_sum3A_563 [1] : vector<128x64xf32> to vector<128xf32>
    %convert_element_type3A_565 = arith.fptosi %reduce_sum3A_564 : vector<128xf32> to vector<128xi32>
    %swap3A_566 = arith.constant 0 : index
    %swap3A_567 = arith.constant 1920 : index
    %swap3A_568 = vector.load %arg7[%swap3A_566, %swap3A_567] : memref<1x2048xi32, #tpu.memory_space<vmem>>, vector<1x128xi32>
    %swap3A_569 = vector.shape_cast %swap3A_568 : vector<1x128xi32> to vector<128xi32>
    %swap3A_570 = vector.shape_cast %convert_element_type3A_565 : vector<128xi32> to vector<1x128xi32>
    tpu.vector_store %arg7[%swap3A_566, %swap3A_567], %swap3A_570 {strides = array<i32>} : memref<1x2048xi32, #tpu.memory_space<vmem>>, vector<1x128xi32>,
    %slice3A_571 = vector.extract_strided_slice %slice3A_554 {offsets = [0, 32], sizes = [128, 32], strides = [1, 1]} : vector<128x64xf32> to vector<128x32xf32>
    %reduce_sum3A_572 = arith.constant dense<0.000000e+00> : vector<128xf32>
    %reduce_sum3A_573 = vector.multi_reduction <add>, %slice3A_571, %reduce_sum3A_572 [1] : vector<128x32xf32> to vector<128xf32>
    %mul3A_574 = arith.constant 2.560000e+03 : f32
    %mul3A_575 = vector.broadcast %mul3A_574 : f32 to vector<128xf32>
    %mul3A_576 = arith.mulf %mul3A_575, %reduce_sum3A_573 : vector<128xf32>
    %add3A_577 = arith.addf %reduce_sum3A_564, %mul3A_576 : vector<128xf32>
    %convert_element_type3A_578 = arith.fptosi %add3A_577 : vector<128xf32> to vector<128xi32>
    %swap3A_579 = arith.constant 0 : index
    %swap3A_580 = arith.constant 1920 : index
    %swap3A_581 = vector.load %arg8[%swap3A_579, %swap3A_580] : memref<1x2048xi32, #tpu.memory_space<vmem>>, vector<1x128xi32>
    %swap3A_582 = vector.shape_cast %swap3A_581 : vector<1x128xi32> to vector<128xi32>
    %swap3A_583 = vector.shape_cast %convert_element_type3A_578 : vector<128xi32> to vector<1x128xi32>
    tpu.vector_store %arg8[%swap3A_579, %swap3A_580], %swap3A_583 {strides = array<i32>} : memref<1x2048xi32, #tpu.memory_space<vmem>>, vector<1x128xi32>,
    %broadcast_in_dim3A_584 = vector.shape_cast %reduce_sum3A_35 : vector<64xf32> to vector<1x64xf32>
    %convert_element_type3A_585 = arith.fptosi %broadcast_in_dim3A_584 : vector<1x64xf32> to vector<1x64xi32>
    %swap3A_586 = arith.constant 0 : index
    %swap3A_587 = arith.constant 0 : index
    %swap3A_588 = vector.load %arg9[%swap3A_586, %swap3A_587] : memref<1x64xi32, #tpu.memory_space<vmem>>, vector<1x64xi32>
    tpu.vector_store %arg9[%swap3A_586, %swap3A_587], %convert_element_type3A_585 {strides = array<i32>} : memref<1x64xi32, #tpu.memory_space<vmem>>, vector<1x64xi32>,
    %broadcast_in_dim3A_589 = vector.shape_cast %reduce_sum3A_18 : vector<64xf32> to vector<1x64xf32>
    %convert_element_type3A_590 = arith.fptosi %broadcast_in_dim3A_589 : vector<1x64xf32> to vector<1x64xi32>
    %swap3A_591 = arith.constant 0 : index
    %swap3A_592 = arith.constant 0 : index
    %swap3A_593 = vector.load %arg10[%swap3A_591, %swap3A_592] : memref<1x64xi32, #tpu.memory_space<vmem>>, vector<1x64xi32>
    tpu.vector_store %arg10[%swap3A_591, %swap3A_592], %convert_element_type3A_590 {strides = array<i32>} : memref<1x64xi32, #tpu.memory_space<vmem>>, vector<1x64xi32>,
    %get3A_594 = arith.constant 0 : index
    %get3A_595 = arith.constant 0 : index
    %get3A_596 = vector.load %arg3[%get3A_594, %get3A_595] : memref<768x768xf32, #tpu.memory_space<vmem>>, vector<768x768xf32>
    %dot_general3A_597 = arith.constant dense<0.000000e+00> : vector<2048x768xf32>
    %dot_general3A_598 = tpu.matmul %get3A_1, %get3A_596, %dot_general3A_597 {dimension_numbers = #tpu.dot_dimension_numbers<[1], [1], [0], [0], [0, 0, 1, 0], [], []>, transpose_lhs_hint = false} : vector<2048x768xf32>, vector<768x768xf32>, vector<2048x768xf32> -> vector<2048x768xf32>
    %get3A_599 = arith.constant 0 : index
    %get3A_600 = arith.constant 0 : index
    %get3A_601 = vector.load %arg4[%get3A_599, %get3A_600] : memref<1x768xf32, #tpu.memory_space<vmem>>, vector<1x768xf32>
    %add3A_602 = vector.broadcast %get3A_601 : vector<1x768xf32> to vector<2048x768xf32>
    %add3A_603 = arith.addf %dot_general3A_598, %add3A_602 : vector<2048x768xf32>
    %mul3A_604 = arith.constant 5.000000e-01 : f32
    %mul3A_605 = vector.broadcast %mul3A_604 : f32 to vector<2048x768xf32>
    %mul3A_606 = arith.mulf %add3A_603, %mul3A_605 : vector<2048x768xf32>
    %mul3A_607 = arith.constant 0.707106769 : f32
    %mul3A_608 = vector.broadcast %mul3A_607 : f32 to vector<2048x768xf32>
    %mul3A_609 = arith.mulf %add3A_603, %mul3A_608 : vector<2048x768xf32>
    %erf3A = math.erf %mul3A_609 : vector<2048x768xf32>
    %add3A_610 = arith.constant 1.000000e+00 : f32
    %add3A_611 = vector.broadcast %add3A_610 : f32 to vector<2048x768xf32>
    %add3A_612 = arith.addf %add3A_611, %erf3A : vector<2048x768xf32>
    %mul3A_613 = arith.mulf %mul3A_606, %add3A_612 : vector<2048x768xf32>
    %get3A_614 = arith.constant 0 : index
    %get3A_615 = arith.constant 0 : index
    %get3A_616 = vector.load %arg5[%get3A_614, %get3A_615] : memref<768x768xf32, #tpu.memory_space<vmem>>, vector<768x768xf32>
    %dot_general3A_617 = arith.constant dense<0.000000e+00> : vector<2048x768xf32>
    %dot_general3A_618 = tpu.matmul %mul3A_613, %get3A_616, %dot_general3A_617 {dimension_numbers = #tpu.dot_dimension_numbers<[1], [1], [0], [0], [0, 0, 1, 0], [], []>, transpose_lhs_hint = false} : vector<2048x768xf32>, vector<768x768xf32>, vector<2048x768xf32> -> vector<2048x768xf32>
    %get3A_619 = arith.constant 0 : index
    %get3A_620 = arith.constant 0 : index
    %get3A_621 = vector.load %arg6[%get3A_619, %get3A_620] : memref<1x768xf32, #tpu.memory_space<vmem>>, vector<1x768xf32>
    %add3A_622 = vector.broadcast %get3A_621 : vector<1x768xf32> to vector<2048x768xf32>
    %add3A_623 = arith.addf %dot_general3A_618, %add3A_622 : vector<2048x768xf32>
    %swap3A_624 = arith.constant 0 : index
    %swap3A_625 = arith.constant 0 : index
    %swap3A_626 = vector.load %arg11[%swap3A_624, %swap3A_625] : memref<2048x768xf32, #tpu.memory_space<vmem>>, vector<2048x768xf32>
    tpu.vector_store %arg11[%swap3A_624, %swap3A_625], %add3A_623 {strides = array<i32>} : memref<2048x768xf32, #tpu.memory_space<vmem>>, vector<2048x768xf32>,
    return
  }
}

</mosaic_0001>

<sc_bundles>
// kernel: kernel.6.cloned.1.call-start
scs
__scs_entry_jumppad:
0x0: {  	(pc) =	sbr.rel $0x88, $3  }
0x1: {  	(tag) =	ssettag $0x0;
	lr =	simm.s32 $0x1  }
0x2: {  	[smem:$0x3F96] =	sst lr;
	_ =	strace $0xD0000000  }
0x3: {  	_ = 	snop  }
0x4: {  	_ = 	snop  }
0x5: {  	_ = 	snop  }
0x6: {  	_ = 	snop  }
0x7: {  	_ = 	snop  }
__scs_overlays_trampoline_lowered:
0x8: {  	[smem:$0x3FA5] =	sst s0  }
0x9: {  	[smem:$0x3FA6] =	sst s1  }
0xa: {  	[smem:$0x3FA7] =	sst s2  }
0xb: {  	[smem:$0x3FA8] =	sst s3  }
0xc: {  	[smem:$0x3FA9] =	sst s4  }
0xd: {  	[smem:$0x3FAA] =	sst s5  }
0xe: {  	[smem:$0x3FAB] =	sst s6  }
0xf: {  	[smem:$0x3FAC] =	sst s7  }
0x10: {  	[smem:$0x3FAD] =	sst s8  }
0x11: {  	[smem:$0x3FAE] =	sst s9;
	s0 =	simm.s32 @!p0 $0x0  }
0x12: {  	s1 =	sld [smem:$0x3F94];
	s0 =	simm.s32 @p0 $0x1  }
0x13: {  	[smem:$0x3FAF] =	sst s0;
	s0 =	simm.s32 @!p1 $0x0  }
0x14: {  	s2 =	sld [smem:$0x3F93];
	s0 =	simm.s32 @p1 $0x1  }
0x15: {  	[smem:$0x3FB0] =	sst s0;
	s0 =	simm.s32 @!p2 $0x0  }
0x16: {  	s3 =	sld [smem:$0x3FDB];
	s0 =	simm.s32 @p2 $0x1  }
0x17: {  	s4 =	simm.s32 $0x1BF5;
	[smem:$0x3FB2] =	sst s0  }
0x18: {  	s0 =	sld [smem:$0x3F95];
	_ =	swait.ge [sflag:s4], $0x0  }
0x19: {  	s7 =	sld [smem:$0x3F96]  }
0x1a: {  	s8 =	sadd.s32 $0xFFFFE003, lr  }
0x1b: {  	s9 =	sadd.s32 $0xFFFFFEF7, lr;
	s5 =	simm.s32 $0xFFFFFFFF;
	p2 =	slt.u32 s8, $0xFFFFF086  }
0x1c: {  	p1 =	slt.u32 s9, $0xF7A;
	s5 =	simm.s32 @!p2 $0x0  }
0x1d: {  	s5 =	simm.s32 @p1 $0x1;
	p0 =	seq.s32 s7, s2  }
0x1e: {  	s7 =	smul.u32 @!p0 $0xF7A, s2;
	p2 =	seq.s32 @!p0 s5, $0x0  }
0x1f: {  	s9 =	smul.u32 $0xF7A, s1;
	s8 =	simm.s32 @!p0 $0x1BF5;
	p2 =	por !p2, p0  }
0x20: {  	[sflag:s8] =	ssyncset.s32 @!p0 $0xFFFFF086;
	s6 =	sadd.s32 @!p0 s3, s7;
	s7 =	simm.s32 @!p0 $0x108  }
0x21: {  	s3 =	sadd.s32 s3, s9;
	s6 =	sadd.s32 @!p0 $0x88, s6;
	s7 =	simm.s32 @p2 $0x1082  }
0x22: {  	[simem:s7], [sflag:s8] =	dma.local @!p0 [hbm:s6], $0xF7A  }
0x23: {  	s9 =	sor.u32 $0xD0000000, s2;
	s6 =	simm.s32 $0x108;
	_ =	swait.ge @!p0 [sflag:s8], $0x0  }
0x24: {  	s3 =	sadd.s32 $0x88, s3;
	s6 =	simm.s32 @!p1 $0x1082;
	[sflag:s4] =	ssyncset.s32 $0xFFFFF086  }
0x25: {  	[simem:s6], [sflag:s4] =	dma.local [hbm:s3], $0xF7A  }
0x26: {  	[smem:$0x3F96] =	sst s1;
	(tag) =	ssettag s2;
	_ =	strace s9  }
0x27: {  	s1 =	sld [smem:$0x3FA6]  }
0x28: {  	s2 =	sld [smem:$0x3FA7]  }
0x29: {  	s4 =	sld [smem:$0x3FA9]  }
0x2a: {  	p0 =	seq.s32 s5, $0x0;
	s5 =	sld [smem:$0x3FAA]  }
0x2b: {  	s6 =	sld [smem:$0x3FAB]  }
0x2c: {  	s7 =	sld [smem:$0x3FAC]  }
0x2d: {  	s3 =	simm.s32 $0x108;
	s8 =	sld [smem:$0x3FAD]  }
0x2e: {  	s3 =	simm.s32 @!p0 $0x1082;
	s9 =	sld [smem:$0x3FAE]  }
0x2f: {  	lr =	sadd.s32 s0, s3;
	s0 =	sld [smem:$0x3FA5]  }
0x30: {  	s3 =	sld [smem:$0x3FA8]  }
0x31: {  	[smem:$0x3FB1] =	sst s10  }
0x32: {  	s10 =	sld [smem:$0x3FAF];
	_ =	sdelay $0x3  }
0x33: {  	p0 =	seq.s32 s10, $0x1;
	s10 =	sld [smem:$0x3FB1];
	_ =	sdelay $0x3  }
0x34: {  	[smem:$0x3FB1] =	sst s10  }
0x35: {  	s10 =	sld [smem:$0x3FB0];
	_ =	sdelay $0x3  }
0x36: {  	p1 =	seq.s32 s10, $0x1;
	s10 =	sld [smem:$0x3FB1];
	_ =	sdelay $0x3  }
0x37: {  	[smem:$0x3FB1] =	sst s10  }
0x38: {  	s10 =	sld [smem:$0x3FB2]  }
0x39: {  	_ = 	snop;
	(pc) =	sbr.ind lr, $3  }
0x3a: {  	_ = 	snop  }
0x3b: {  	_ = 	snop  }
0x3c: {  	p2 =	seq.s32 s10, $0x1;
	s10 =	sld [smem:$0x3FB1]  }
0x3d: {  	_ =	shalt  }
0x3e: {  	_ =	shalt  }
0x3f: {  	_ =	shalt  }
0x40: {  	_ =	shalt  }
0x41: {  	_ =	shalt  }
0x42: {  	_ =	shalt  }
0x43: {  	_ =	shalt  }
0x44: {  	_ =	shalt  }
0x45: {  	_ =	shalt  }
0x46: {  	_ =	shalt  }
0x47: {  	_ =	shalt  }
0x48: {  	_ =	shalt  }
0x49: {  	_ =	shalt  }
0x4a: {  	_ =	shalt  }
0x4b: {  	_ =	shalt  }
0x4c: {  	_ =	shalt  }
0x4d: {  	_ =	shalt  }
0x4e: {  	_ =	shalt  }
0x4f: {  	_ =	shalt  }
0x50: {  	_ =	shalt  }
0x51: {  	_ =	shalt  }
0x52: {  	_ =	shalt  }
0x53: {  	_ =	shalt  }
0x54: {  	_ =	shalt  }
0x55: {  	_ =	shalt  }
0x56: {  	_ =	shalt  }
0x57: {  	_ =	shalt  }
0x58: {  	_ =	shalt  }
0x59: {  	_ =	shalt  }
0x5a: {  	_ =	shalt  }
0x5b: {  	_ =	shalt  }
0x5c: {  	_ =	shalt  }
0x5d: {  	_ =	shalt  }
0x5e: {  	_ =	shalt  }
0x5f: {  	_ =	shalt  }
0x60: {  	_ =	shalt  }
0x61: {  	_ =	shalt  }
0x62: {  	_ =	shalt  }
0x63: {  	_ =	shalt  }
0x64: {  	_ =	shalt  }
0x65: {  	_ =	shalt  }
0x66: {  	_ =	shalt  }
0x67: {  	_ =	shalt  }
0x68: {  	_ =	shalt  }
0x69: {  	_ =	shalt  }
0x6a: {  	_ =	shalt  }
0x6b: {  	_ =	shalt  }
0x6c: {  	_ =	shalt  }
0x6d: {  	_ =	shalt  }
0x6e: {  	_ =	shalt  }
0x6f: {  	_ =	shalt  }
0x70: {  	_ =	shalt  }
0x71: {  	_ =	shalt  }
0x72: {  	_ =	shalt  }
0x73: {  	_ =	shalt  }
0x74: {  	_ =	shalt  }
0x75: {  	_ =	shalt  }
0x76: {  	_ =	shalt  }
0x77: {  	_ =	shalt  }
0x78: {  	_ =	shalt  }
0x79: {  	_ =	shalt  }
0x7a: {  	_ =	shalt  }
0x7b: {  	_ =	shalt  }
0x7c: {  	_ =	shalt  }
0x7d: {  	_ =	shalt  }
0x7e: {  	_ =	shalt  }
0x7f: {  	_ =	shalt  }
0x80: {  	_ =	shalt  }
0x81: {  	_ =	shalt  }
0x82: {  	_ =	shalt  }
0x83: {  	_ =	shalt  }
0x84: {  	_ =	shalt  }
0x85: {  	_ =	shalt  }
0x86: {  	_ =	shalt  }
0x87: {  	_ =	shalt  }
.Lfunc_end0:
.L_simem_size_0:
called_computation_lowered:
.L_overlay_start_0:
0x88: {  	s2 =	sld [smem:$0x3FD9]  }
0x89: {  	s3 =	sld [smem:$0x3FFE];
	_ =	sdelay $0x1  }
0x8a: {  	s1 =	srdreg.scid  }
0x8b: {  	s0 =	sand.u32 $0x1, s1  }
0x8c: {  	s17 =	sshll.u32 s0, $0xA;
	s2 =	sadd.s32 s3, s2  }
0x8d: {  	s2 =	sadd.s32 s2, s17  }
0x8e: {  	[smem:$0x3FBD] =	sst s2  }
0x8f: {  	_ = 	snop  }
0x90: {  	s2 =	sld [smem:$0x3FC9]  }
0x91: {  	s18 =	sld [smem:$0x3FD0];
	(tm) =	ssettm $0x1  }
0x92: {  	s4 =	sld [smem:$0x3FFB];
	_ =	sdelay $0x3  }
0x93: {  	_ =	strace s4  }
0x94: {  	s4 =	sld [smem:$0x3FFC];
	_ =	sdelay $0x3  }
0x95: {  	_ =	strace s4  }
0x96: {  	s4 =	sld [smem:$0x3FFD];
	_ =	sdelay $0x3  }
0x97: {  	_ =	strace s4  }
0x98: {  	_ =	strace $0x8FFFFFFF  }
0x99: {  	s19 =	sld [smem:$0x3FDB];
	_ =	sdelay $0x1  }
0x9a: {  	s5 =	simm.s32 $_scs_section_size  }
0x9b: {  	s6 =	simm.s32 $_size__tile_overlayer_lowered;
	s7 =	simm.s32 $_tile_overlayer_lowered  }
0x9c: {  	s22 =	simm.s32 $0x1BFF;
	s21 =	sshll.u32 s7, $0x1;
	s4 =	sadd.s32 s5, s19  }
0x9d: {  	s8 =	simm.s32 $0x0;
	s20 =	sshll.u32 s6, $0x1;
	s6 =	sadd.s32 s21, s4  }
0x9e: {  	[timem:s8], [sflag:s22] =	dma.local [hbm:s6], s20  }
0x9f: {  	_ =	swait.ge [sflag:s22], s20  }
0xa0: {  	s5 =	ssub.s32 $0x0, s20;
	[sflag:s22] =	ssyncset.done $0x0  }
0xa1: {  	[sflag:s22] =	ssyncadd.s32 s5;
	_ =	sdelay $0x1  }
0xa2: {  	s23 =	simm.s32 $0x1B8B  }
0xa3: {  	_ =	swait.ge [sflag:s23], $0x1  }
0xa4: {  	[sflag:s23] =	ssyncset.done $0x0  }
0xa5: {  	s25 =	simm.s32 $0x1B8E;
	s24 =	sld [smem:$0x3FFE];
	[sflag:s23] =	ssyncadd.s32 $0xFFFFFFFF  }
0xa6: {  	s26 =	simm.s32 $execute0_lowered;
	[smem:$0x3FD2] =	sst s25  }
0xa7: {  	s6 =	sshll.u32 s26, $0x1;
	_ =	strace $0x80000046;
	[dreg:$0x1] =	wrdreg $0xFFFFFFFF  }
0xa8: {  	s28 =	simm.s32 $_size_execute0_lowered;
	s4 =	sadd.s32 s4, s6;
	[dreg:$0x0] =	wrdreg $0x0  }
0xa9: {  	s6 =	sshll.u32 s28, $0x1;
	[dreg:$0x2] =	wrdreg s4  }
0xaa: {  	[dreg:$0x3] =	wrdreg s6  }
0xab: {  	[dreg:$0x4] =	wrdreg $0xC0  }
0xac: {  	_ =	task [dreg:s8], $0x5FFFF  }
0xad: {  	[dreg:$0x1] =	wrdreg $0xFFFFFFFF  }
0xae: {  	[dreg:$0x0] =	wrdreg $0x60  }
0xaf: {  	[dreg:$0x2] =	wrdreg s2  }
0xb0: {  	[dreg:$0x3] =	wrdreg s18  }
0xb1: {  	[dreg:$0x4] =	wrdreg s24  }
0xb2: {  	[dreg:$0x5] =	wrdreg $0x9  }
0xb3: {  	_ =	task.clear_ibuf [dreg:s8], $0x6FFFF;
	_ =	strace $0x90000046  }
0xb4: {  	s29 =	simm.s32 $0x9;
	_ =	strace $0x80000048  }
0xb5: {  	_ =	swait.ge [sflag:s29], $0x1  }
0xb6: {  	[sflag:s29] =	ssyncadd.s32 $0xFFFFFFFF  }
0xb7: {  	_ =	strace $0x90000048  }
0xb8: {  	_ =	sfence  }
0xb9: {  	s30 =	sld [smem:$0x0];
	_ =	sdelay $0x2  }
0xba: {  	s31 =	sshll.u32 s1, $0xD;
	s1 =	sshrl.u32 s1, $0x2  }
0xbb: {  	s3 =	sand.u32 $0x4000, s31;
	s1 =	sadd.s32 s1, s30  }
0xbc: {  	s0 =	sor.u32 s3, s0;
	s1 =	sshll.u32 s1, $0x11  }
0xbd: {  	s0 =	sor.u32 s1, s0  }
0xbe: {  	s0 =	sadd.s32 $0x8F2B, s0  }
0xbf: {  	[sflag:s0] =	ssyncadd.remote.s32 $0x1  }
0xc0: {  	_ =	sfence.sel $0xFFFF  }
0xc1: {  	[dreg:$0x0] =	wrdreg $0xFFFFFFFF;
	(pc) =	sbr.abs _section_cstart, $3  }
0xc2: {  	[dreg:$0x1] =	wrdreg $0xFFFFFFFF  }
0xc3: {  	_ =	task.clear_ibuf [dreg:s8], $0x2FFFF;
	_ =	strace $0x9FFFFFFF  }
0xc4: {  	(tm) =	ssettm $0x7FFFFFFF  }
0xc5: {  	_ =	shalt  }
tec
execute0_lowered:
.L_overlay_start_1:
0x0: {  	(tag) =	ssettag $0x1  }
0x1: {  	s0 =	rddreg [dreg:$0x0]  }
0x2: {  	s1 =	rddreg [dreg:$0x1]  }
0x3: {  	s8 =	rddreg [dreg:$0x2]  }
0x4: {  	s2 =	srdreg.scid;
	s3 =	stileid.u32  }
0x5: {  	s10 =	simm.s32 $0x2;
	s14 =	simm.s32 $0x1;
	s16 =	simm.s32 $0x880  }
0x6: {  	s17 =	simm.s32 $0x1080;
	s18 =	simm.s32 $0x1880;
	s19 =	simm.s32 $0x2080  }
0x7: {  	s20 =	simm.s32 $0x2880;
	s21 =	simm.s32 $0x3080;
	s22 =	simm.s32 $0x3880  }
0x8: {  	s23 =	simm.s32 $0x4080;
	s28 =	simm.s32 $0x6080;
	s29 =	simm.s32 $0x6880  }
0x9: {  	s30 =	simm.s32 $0x7080;
	s31 =	simm.s32 $0x7880;
	s12 =	simm.s32 $0x9080  }
0xa: {  	s13 =	simm.s32 $0x9880;
	s11 =	simm.s32 $0xA080;
	s4 =	sand.u32 $0x1, s2  }
0xb: {  	s2 =	simm.s32 $0x0;
	s3 =	sshll.u32 s3, $0x4;
	s5 =	sshll.u32 s4, $0x3  }
0xc: {  	[smem:$0x7FF] =	sst s2;
	s6 =	ssub.s32 $0x2, s4;
	s4 =	sadd.s32 $0x3E600, s8  }
0xd: {  	s3 =	sor.u32 s5, s3;
	_ =	strace $0x80000047;
	s25 =	sshrl.u32 s6, $0x1  }
0xe: {  	s5 =	sadd.s32 s3, s8;
	s7 =	smul.u32 $0x300, s3;
	s3 =	sadd.s32 $0x2600, s8  }
0xf: {  	s9 =	ssub.s32 s6, s25;
	s6 =	sadd.s32 $0x2800, s8;
	s25 =	simm.s32 $0x5080  }
0x10: {  	s24 =	sadd.s32 $0x2400, s5;
	s5 =	sadd.s32 $0x2700, s8;
	s9 =	smax.u32 s9, $0x1  }
0x11: {  	v2 =	vlaneseq.u32;
	[dreg:$0x4] =	wrdreg s24;
	s0 =	sadd.s32 s0, s7;
	s26 =	sadd.s32 s1, s7  }
0x12: {  	vm0 =	vmmov $0xffff;
	v1 =	vshrl.u32 v2, $0x3;
	s7 =	sadd.s32 $0x3E700, s8;
	s8 =	sadd.s32 $0x3E800, s8;
	[dreg:$0x5] =	wrdreg s0  }
0x13: {  	v0 =	vand.u32 $0x7, v2;
	v2 =	vor.u32 $0x8, v2;
	v1 =	vmul.u32 $0x8, v1;
	s24 =	simm.s32 $0x4880;
	[dreg:$0x6] =	wrdreg s26;
	s26 =	simm.s32 $0x5880  }
.LBB2_1:
0x14: {  	s15 =	rddreg [dreg:$0x4]  }
0x15: {  	[tilespmem:s2], [sflag:$0x2] =	stream.linear.gather [hbm4b:s15+s2], $0x40, $0x38;
	[tilespmem:$0xC080] =	vst v63  }
0x16: {  	_ =	swait.ge [sflag:s10], $0x40  }
0x17: {  	[sflag:s10] =	ssyncset.done $0x0  }
0x18: {  	s0 =	simm.s32 $0x80;
	s1 =	rddreg [dreg:$0x5];
	[sflag:s10] =	ssyncadd.s32 $0xFFFFFFC0  }
0x19: {  	[tilespmem:s0], [sflag:$0x2] =	stream.linear.gather [hbm4b:s1+s2], $0xC000, $0x38;
	[tilespmem:$0xC080] =	vst v63  }
0x1a: {  	_ =	swait.ge [sflag:s10], $0xC000  }
0x1b: {  	[sflag:s10] =	ssyncset.done $0x0  }
0x1c: {  	[sflag:s10] =	ssyncadd.s32 $0xFFFF4000  }
0x1d: {  	v3 =	vld [tilespmem:$0x0];
	_ =	sdelay $0x4  }
0x1e: {  	v4 =	vshrl.u32 v3, $0x3  }
0x1f: {  	v4 =	vmul.u32 $0x30, v4  }
0x20: {  	v3 =	vand.u32 $0x7, v3  }
0x21: {  	v3 =	vor.u32 v3, v4  }
0x22: {  	v4 =	vperm.xlane v3, v0;
	_ =	sdelay $0x1  }
0x23: {  	v4 =	vadd.s32 v1, v4;
	_ =	sdelay $0x3  }
0x24: {  	v3 =	vperm.xlane v3, v2  }
0x25: {  	[hbm4b:s3+s2] =	stream.indirect_vreg.scatter [tilespmem:s0], [sflag:$0x1], $0x80, v4, vm0, $0xb8;
	[tilespmem:$0xC080] =	vst v63  }
0x26: {  	v3 =	vadd.s32 v1, v3  }
0x27: {  	[hbm4b:s5+s2] =	stream.indirect_vreg.scatter [tilespmem:s16], [sflag:$0x1], $0x80, v4, vm0, $0xb8;
	[tilespmem:$0xC080] =	vst v63  }
0x28: {  	_ = 	snop  }
0x29: {  	[hbm4b:s6+s2] =	stream.indirect_vreg.scatter [tilespmem:s17], [sflag:$0x1], $0x80, v4, vm0, $0xb8;
	[tilespmem:$0xC080] =	vst v63  }
0x2a: {  	_ = 	snop  }
0x2b: {  	[hbm4b:s3+s2] =	stream.indirect_vreg.scatter [tilespmem:s18], [sflag:$0x1], $0x80, v3, vm0, $0xb8;
	[tilespmem:$0xC080] =	vst v63  }
0x2c: {  	_ = 	snop  }
0x2d: {  	[hbm4b:s5+s2] =	stream.indirect_vreg.scatter [tilespmem:s19], [sflag:$0x1], $0x80, v3, vm0, $0xb8;
	[tilespmem:$0xC080] =	vst v63  }
0x2e: {  	_ = 	snop  }
0x2f: {  	[hbm4b:s6+s2] =	stream.indirect_vreg.scatter [tilespmem:s20], [sflag:$0x1], $0x80, v3, vm0, $0xb8;
	[tilespmem:$0xC080] =	vst v63  }
0x30: {  	v3 =	vld [tilespmem:$0x10];
	_ =	sdelay $0x4  }
0x31: {  	v57 =	vshrl.u32 v3, $0x3  }
0x32: {  	v4 =	vmul.u32 $0x30, v57  }
0x33: {  	v3 =	vand.u32 $0x7, v3  }
0x34: {  	v3 =	vor.u32 v3, v4  }
0x35: {  	v4 =	vperm.xlane v3, v0;
	_ =	sdelay $0x1  }
0x36: {  	v4 =	vadd.s32 v1, v4;
	_ =	sdelay $0x3  }
0x37: {  	v3 =	vperm.xlane v3, v2  }
0x38: {  	[hbm4b:s3+s2] =	stream.indirect_vreg.scatter [tilespmem:s21], [sflag:$0x1], $0x80, v4, vm0, $0xb8;
	[tilespmem:$0xC080] =	vst v63  }
0x39: {  	v3 =	vadd.s32 v1, v3  }
0x3a: {  	[hbm4b:s5+s2] =	stream.indirect_vreg.scatter [tilespmem:s22], [sflag:$0x1], $0x80, v4, vm0, $0xb8;
	[tilespmem:$0xC080] =	vst v63  }
0x3b: {  	_ = 	snop  }
0x3c: {  	[hbm4b:s6+s2] =	stream.indirect_vreg.scatter [tilespmem:s23], [sflag:$0x1], $0x80, v4, vm0, $0xb8;
	[tilespmem:$0xC080] =	vst v63  }
0x3d: {  	_ = 	snop  }
0x3e: {  	[hbm4b:s3+s2] =	stream.indirect_vreg.scatter [tilespmem:s24], [sflag:$0x1], $0x80, v3, vm0, $0xb8;
	[tilespmem:$0xC080] =	vst v63  }
0x3f: {  	_ = 	snop  }
0x40: {  	[hbm4b:s5+s2] =	stream.indirect_vreg.scatter [tilespmem:s25], [sflag:$0x1], $0x80, v3, vm0, $0xb8;
	[tilespmem:$0xC080] =	vst v63  }
0x41: {  	_ = 	snop  }
0x42: {  	[hbm4b:s6+s2] =	stream.indirect_vreg.scatter [tilespmem:s26], [sflag:$0x1], $0x80, v3, vm0, $0xb8;
	[tilespmem:$0xC080] =	vst v63  }
0x43: {  	v3 =	vld [tilespmem:$0x20];
	_ =	sdelay $0x4  }
0x44: {  	v58 =	vshrl.u32 v3, $0x3  }
0x45: {  	v4 =	vmul.u32 $0x30, v58  }
0x46: {  	v3 =	vand.u32 $0x7, v3  }
0x47: {  	v3 =	vor.u32 v3, v4  }
0x48: {  	v4 =	vperm.xlane v3, v0;
	_ =	sdelay $0x1  }
0x49: {  	v4 =	vadd.s32 v1, v4;
	_ =	sdelay $0x3  }
0x4a: {  	v3 =	vperm.xlane v3, v2  }
0x4b: {  	[hbm4b:s3+s2] =	stream.indirect_vreg.scatter [tilespmem:s28], [sflag:$0x1], $0x80, v4, vm0, $0xb8;
	[tilespmem:$0xC080] =	vst v63  }
0x4c: {  	v3 =	vadd.s32 v1, v3  }
0x4d: {  	[hbm4b:s5+s2] =	stream.indirect_vreg.scatter [tilespmem:s29], [sflag:$0x1], $0x80, v4, vm0, $0xb8;
	[tilespmem:$0xC080] =	vst v63  }
0x4e: {  	_ = 	snop  }
0x4f: {  	[hbm4b:s6+s2] =	stream.indirect_vreg.scatter [tilespmem:s30], [sflag:$0x1], $0x80, v4, vm0, $0xb8;
	[tilespmem:$0xC080] =	vst v63  }
0x50: {  	_ = 	snop  }
0x51: {  	[hbm4b:s3+s2] =	stream.indirect_vreg.scatter [tilespmem:s31], [sflag:$0x1], $0x80, v3, vm0, $0xb8;
	[tilespmem:$0xC080] =	vst v63  }
0x52: {  	s1 =	simm.s32 $0x8080  }
0x53: {  	[hbm4b:s5+s2] =	stream.indirect_vreg.scatter [tilespmem:s1], [sflag:$0x1], $0x80, v3, vm0, $0xb8;
	[tilespmem:$0xC080] =	vst v63  }
0x54: {  	s1 =	simm.s32 $0x8880  }
0x55: {  	[hbm4b:s6+s2] =	stream.indirect_vreg.scatter [tilespmem:s1], [sflag:$0x1], $0x80, v3, vm0, $0xb8;
	[tilespmem:$0xC080] =	vst v63  }
0x56: {  	v3 =	vld [tilespmem:$0x30];
	_ =	sdelay $0x4  }
0x57: {  	v59 =	vshrl.u32 v3, $0x3  }
0x58: {  	v4 =	vmul.u32 $0x30, v59  }
0x59: {  	v3 =	vand.u32 $0x7, v3  }
0x5a: {  	v3 =	vor.u32 v3, v4  }
0x5b: {  	v4 =	vperm.xlane v3, v0;
	_ =	sdelay $0x1  }
0x5c: {  	v4 =	vadd.s32 v1, v4;
	_ =	sdelay $0x3  }
0x5d: {  	v3 =	vperm.xlane v3, v2  }
0x5e: {  	[hbm4b:s3+s2] =	stream.indirect_vreg.scatter [tilespmem:s12], [sflag:$0x1], $0x80, v4, vm0, $0xb8;
	[tilespmem:$0xC080] =	vst v63  }
0x5f: {  	v3 =	vadd.s32 v1, v3  }
0x60: {  	[hbm4b:s5+s2] =	stream.indirect_vreg.scatter [tilespmem:s13], [sflag:$0x1], $0x80, v4, vm0, $0xb8;
	[tilespmem:$0xC080] =	vst v63  }
0x61: {  	_ = 	snop  }
0x62: {  	[hbm4b:s6+s2] =	stream.indirect_vreg.scatter [tilespmem:s11], [sflag:$0x1], $0x80, v4, vm0, $0xb8;
	[tilespmem:$0xC080] =	vst v63  }
0x63: {  	s15 =	simm.s32 $0xA880  }
0x64: {  	[hbm4b:s3+s2] =	stream.indirect_vreg.scatter [tilespmem:s15], [sflag:$0x1], $0x80, v3, vm0, $0xb8;
	[tilespmem:$0xC080] =	vst v63  }
0x65: {  	s15 =	simm.s32 $0xB080  }
0x66: {  	[hbm4b:s5+s2] =	stream.indirect_vreg.scatter [tilespmem:s15], [sflag:$0x1], $0x80, v3, vm0, $0xb8;
	[tilespmem:$0xC080] =	vst v63  }
0x67: {  	s15 =	simm.s32 $0xB880  }
0x68: {  	[hbm4b:s6+s2] =	stream.indirect_vreg.scatter [tilespmem:s15], [sflag:$0x1], $0x80, v3, vm0, $0xb8;
	[tilespmem:$0xC080] =	vst v63  }
0x69: {  	_ =	swait.ge [sflag:s14], $0xC000  }
0x6a: {  	[sflag:s14] =	ssyncset.done $0x0  }
0x6b: {  	s15 =	rddreg [dreg:$0x6];
	[sflag:s14] =	ssyncadd.s32 $0xFFFF4000  }
0x6c: {  	[tilespmem:s0], [sflag:$0x2] =	stream.linear.gather [hbm4b:s15+s2], $0xC000, $0x38;
	[tilespmem:$0xC080] =	vst v63  }
0x6d: {  	_ =	swait.ge [sflag:s10], $0xC000  }
0x6e: {  	[sflag:s10] =	ssyncset.done $0x0  }
0x6f: {  	[sflag:s10] =	ssyncadd.s32 $0xFFFF4000  }
0x70: {  	v3 =	vld [tilespmem:$0x0];
	_ =	sdelay $0x4  }
0x71: {  	v60 =	vshrl.u32 v3, $0x3  }
0x72: {  	v4 =	vmul.u32 $0x30, v60  }
0x73: {  	v3 =	vand.u32 $0x7, v3  }
0x74: {  	v3 =	vor.u32 v3, v4  }
0x75: {  	v4 =	vperm.xlane v3, v0;
	_ =	sdelay $0x1  }
0x76: {  	v4 =	vadd.s32 v1, v4;
	_ =	sdelay $0x3  }
0x77: {  	v3 =	vperm.xlane v3, v2  }
0x78: {  	[hbm4b:s4+s2] =	stream.indirect_vreg.scatter [tilespmem:s0], [sflag:$0x1], $0x80, v4, vm0, $0xb8;
	[tilespmem:$0xC080] =	vst v63  }
0x79: {  	v3 =	vadd.s32 v1, v3  }
0x7a: {  	[hbm4b:s7+s2] =	stream.indirect_vreg.scatter [tilespmem:s16], [sflag:$0x1], $0x80, v4, vm0, $0xb8;
	[tilespmem:$0xC080] =	vst v63  }
0x7b: {  	_ = 	snop  }
0x7c: {  	[hbm4b:s8+s2] =	stream.indirect_vreg.scatter [tilespmem:s17], [sflag:$0x1], $0x80, v4, vm0, $0xb8;
	[tilespmem:$0xC080] =	vst v63  }
0x7d: {  	_ = 	snop  }
0x7e: {  	[hbm4b:s4+s2] =	stream.indirect_vreg.scatter [tilespmem:s18], [sflag:$0x1], $0x80, v3, vm0, $0xb8;
	[tilespmem:$0xC080] =	vst v63  }
0x7f: {  	_ = 	snop  }
0x80: {  	[hbm4b:s7+s2] =	stream.indirect_vreg.scatter [tilespmem:s19], [sflag:$0x1], $0x80, v3, vm0, $0xb8;
	[tilespmem:$0xC080] =	vst v63  }
0x81: {  	_ = 	snop  }
0x82: {  	[hbm4b:s8+s2] =	stream.indirect_vreg.scatter [tilespmem:s20], [sflag:$0x1], $0x80, v3, vm0, $0xb8;
	[tilespmem:$0xC080] =	vst v63  }
0x83: {  	v3 =	vld [tilespmem:$0x10];
	_ =	sdelay $0x4  }
0x84: {  	v61 =	vshrl.u32 v3, $0x3  }
0x85: {  	v4 =	vmul.u32 $0x30, v61  }
0x86: {  	v3 =	vand.u32 $0x7, v3  }
0x87: {  	v3 =	vor.u32 v3, v4  }
0x88: {  	v4 =	vperm.xlane v3, v0;
	_ =	sdelay $0x1  }
0x89: {  	v4 =	vadd.s32 v1, v4;
	_ =	sdelay $0x3  }
0x8a: {  	v3 =	vperm.xlane v3, v2  }
0x8b: {  	[hbm4b:s4+s2] =	stream.indirect_vreg.scatter [tilespmem:s21], [sflag:$0x1], $0x80, v4, vm0, $0xb8;
	[tilespmem:$0xC080] =	vst v63  }
0x8c: {  	v3 =	vadd.s32 v1, v3  }
0x8d: {  	[hbm4b:s7+s2] =	stream.indirect_vreg.scatter [tilespmem:s22], [sflag:$0x1], $0x80, v4, vm0, $0xb8;
	[tilespmem:$0xC080] =	vst v63  }
0x8e: {  	_ = 	snop  }
0x8f: {  	[hbm4b:s8+s2] =	stream.indirect_vreg.scatter [tilespmem:s23], [sflag:$0x1], $0x80, v4, vm0, $0xb8;
	[tilespmem:$0xC080] =	vst v63  }
0x90: {  	_ = 	snop  }
0x91: {  	[hbm4b:s4+s2] =	stream.indirect_vreg.scatter [tilespmem:s24], [sflag:$0x1], $0x80, v3, vm0, $0xb8;
	[tilespmem:$0xC080] =	vst v63  }
0x92: {  	_ = 	snop  }
0x93: {  	[hbm4b:s7+s2] =	stream.indirect_vreg.scatter [tilespmem:s25], [sflag:$0x1], $0x80, v3, vm0, $0xb8;
	[tilespmem:$0xC080] =	vst v63  }
0x94: {  	_ = 	snop  }
0x95: {  	[hbm4b:s8+s2] =	stream.indirect_vreg.scatter [tilespmem:s26], [sflag:$0x1], $0x80, v3, vm0, $0xb8;
	[tilespmem:$0xC080] =	vst v63  }
0x96: {  	v3 =	vld [tilespmem:$0x20];
	_ =	sdelay $0x4  }
0x97: {  	v62 =	vshrl.u32 v3, $0x3  }
0x98: {  	v4 =	vmul.u32 $0x30, v62  }
0x99: {  	v3 =	vand.u32 $0x7, v3  }
0x9a: {  	v3 =	vor.u32 v3, v4  }
0x9b: {  	v4 =	vperm.xlane v3, v0;
	_ =	sdelay $0x1  }
0x9c: {  	v4 =	vadd.s32 v1, v4;
	_ =	sdelay $0x3  }
0x9d: {  	v3 =	vperm.xlane v3, v2  }
0x9e: {  	[hbm4b:s4+s2] =	stream.indirect_vreg.scatter [tilespmem:s28], [sflag:$0x1], $0x80, v4, vm0, $0xb8;
	[tilespmem:$0xC080] =	vst v63  }
0x9f: {  	v3 =	vadd.s32 v1, v3  }
0xa0: {  	[hbm4b:s7+s2] =	stream.indirect_vreg.scatter [tilespmem:s29], [sflag:$0x1], $0x80, v4, vm0, $0xb8;
	[tilespmem:$0xC080] =	vst v63  }
0xa1: {  	_ = 	snop  }
0xa2: {  	[hbm4b:s8+s2] =	stream.indirect_vreg.scatter [tilespmem:s30], [sflag:$0x1], $0x80, v4, vm0, $0xb8;
	[tilespmem:$0xC080] =	vst v63  }
0xa3: {  	_ = 	snop  }
0xa4: {  	[hbm4b:s4+s2] =	stream.indirect_vreg.scatter [tilespmem:s31], [sflag:$0x1], $0x80, v3, vm0, $0xb8;
	[tilespmem:$0xC080] =	vst v63  }
0xa5: {  	s15 =	simm.s32 $0x8080  }
0xa6: {  	[hbm4b:s7+s2] =	stream.indirect_vreg.scatter [tilespmem:s15], [sflag:$0x1], $0x80, v3, vm0, $0xb8;
	[tilespmem:$0xC080] =	vst v63  }
0xa7: {  	_ = 	snop  }
0xa8: {  	[hbm4b:s8+s2] =	stream.indirect_vreg.scatter [tilespmem:s1], [sflag:$0x1], $0x80, v3, vm0, $0xb8;
	[tilespmem:$0xC080] =	vst v63  }
0xa9: {  	v3 =	vld [tilespmem:$0x30];
	_ =	sdelay $0x4  }
0xaa: {  	v63 =	vshrl.u32 v3, $0x3  }
0xab: {  	v4 =	vmul.u32 $0x30, v63  }
0xac: {  	v3 =	vand.u32 $0x7, v3  }
0xad: {  	v3 =	vor.u32 v3, v4  }
0xae: {  	v4 =	vperm.xlane v3, v0;
	_ =	sdelay $0x1  }
0xaf: {  	v4 =	vadd.s32 v1, v4;
	_ =	sdelay $0x3  }
0xb0: {  	v3 =	vperm.xlane v3, v2  }
0xb1: {  	[hbm4b:s4+s2] =	stream.indirect_vreg.scatter [tilespmem:s12], [sflag:$0x1], $0x80, v4, vm0, $0xb8;
	[tilespmem:$0xC080] =	vst v63  }
0xb2: {  	v3 =	vadd.s32 v1, v3  }
0xb3: {  	[hbm4b:s7+s2] =	stream.indirect_vreg.scatter [tilespmem:s13], [sflag:$0x1], $0x80, v4, vm0, $0xb8;
	[tilespmem:$0xC080] =	vst v63  }
0xb4: {  	_ = 	snop  }
0xb5: {  	[hbm4b:s8+s2] =	stream.indirect_vreg.scatter [tilespmem:s11], [sflag:$0x1], $0x80, v4, vm0, $0xb8;
	[tilespmem:$0xC080] =	vst v63  }
0xb6: {  	s15 =	simm.s32 $0xA880  }
0xb7: {  	[hbm4b:s4+s2] =	stream.indirect_vreg.scatter [tilespmem:s15], [sflag:$0x1], $0x80, v3, vm0, $0xb8;
	[tilespmem:$0xC080] =	vst v63  }
0xb8: {  	p0 =	sne.s32 s9, $0x1;
	s1 =	simm.s32 $0xB080  }
0xb9: {  	[hbm4b:s7+s2] =	stream.indirect_vreg.scatter [tilespmem:s1], [sflag:$0x1], $0x80, v3, vm0, $0xb8;
	[tilespmem:$0xC080] =	vst v63  }
.Ltmp0:
0xba: {  	s15 =	simm.s32 $0xB880;
	(pc) =	sbr.rel @p0 .LBB2_1-.Ltmp0, $4  }
0xbb: {  	[hbm4b:s8+s2] =	stream.indirect_vreg.scatter [tilespmem:s15], [sflag:$0x1], $0x80, v3, vm0, $0xb8;
	[tilespmem:$0xC080] =	vst v63  }
0xbc: {  	_ =	swait.ge [sflag:s14], $0xC000  }
0xbd: {  	[sflag:s14] =	ssyncset.done $0x0  }
0xbe: {  	s9 =	sadd.s32 $0xFFFFFFFF, s9;
	[sflag:s14] =	ssyncadd.s32 $0xFFFF4000  }
0xbf: {  	_ =	sfence.sel $0x180000  }
0xc0: {  	[bflag:$0x0] =	sbarrier.arrive $0xFFFF  }
0xc1: {  	_ =	strace $0x90000047  }
0xc2: {  	s0 =	stileid.u32;
	[bflag:$0x2] =	sbarrier.arrive $0xFFFF  }
0xc3: {  	p0 =	sne.s32 s0, $0x0;
	s0 =	rddreg [dreg:$0x3]  }
0xc4: {  	s0 =	sadd.s32 @!p0 $0x100000, s0  }
0xc5: {  	[sflag:s0] =	ssyncadd.tile.s32 @!p0 $0x1;
	_ =	shalt  }
.Lfunc_end2:
_tile_overlayer_lowered:
.L_overlay_start_2:
0xc6: {  	(tag) =	ssettag $0x2  }
0xc7: {  	s0 =	rddreg [dreg:$0x0];
	s2 =	stileid.u32  }
0xc8: {  	s1 =	rddreg [dreg:$0x1];
	p0 =	sne.s32 s2, $0x0  }
0xc9: {  	s3 =	rddreg [dreg:$0x2];
	[bflag:$0x3] =	sbarrier.arrive $0xFFFF;
	s2 =	simm.s32 @!p0 $0x1C02  }
0xca: {  	[timem:s3], [sflag:s2] =	dma.local @!p0 [hbm:s0], s1  }
0xcb: {  	s0 =	simm.s32 @!p0 $0x2  }
0xcc: {  	_ =	swait.ge @!p0 [sflag:s0], s1  }
0xcd: {  	s1 =	ssub.s32 @!p0 $0x0, s1;
	[sflag:s0] =	ssyncset.done @!p0 $0x0  }
0xce: {  	[sflag:s0] =	ssyncadd.s32 @!p0 s1  }
0xcf: {  	[bflag:$0x3] =	sbarrier.arrive $0xFFFF  }
0xd0: {  	_ =	shalt  }

// kernel: kernel.9.cloned.1.call-start
scs
__scs_entry_jumppad:
0x0: {  	(pc) =	sbr.rel $0x88, $3  }
0x1: {  	(tag) =	ssettag $0x0;
	lr =	simm.s32 $0x1  }
0x2: {  	[smem:$0x3F96] =	sst lr;
	_ =	strace $0xD0000000  }
0x3: {  	_ = 	snop  }
0x4: {  	_ = 	snop  }
0x5: {  	_ = 	snop  }
0x6: {  	_ = 	snop  }
0x7: {  	_ = 	snop  }
__scs_overlays_trampoline_lowered:
0x8: {  	[smem:$0x3FA5] =	sst s0  }
0x9: {  	[smem:$0x3FA6] =	sst s1  }
0xa: {  	[smem:$0x3FA7] =	sst s2  }
0xb: {  	[smem:$0x3FA8] =	sst s3  }
0xc: {  	[smem:$0x3FA9] =	sst s4  }
0xd: {  	[smem:$0x3FAA] =	sst s5  }
0xe: {  	[smem:$0x3FAB] =	sst s6  }
0xf: {  	[smem:$0x3FAC] =	sst s7  }
0x10: {  	[smem:$0x3FAD] =	sst s8  }
0x11: {  	[smem:$0x3FAE] =	sst s9;
	s0 =	simm.s32 @!p0 $0x0  }
0x12: {  	s1 =	sld [smem:$0x3F94];
	s0 =	simm.s32 @p0 $0x1  }
0x13: {  	[smem:$0x3FAF] =	sst s0;
	s0 =	simm.s32 @!p1 $0x0  }
0x14: {  	s2 =	sld [smem:$0x3F93];
	s0 =	simm.s32 @p1 $0x1  }
0x15: {  	[smem:$0x3FB0] =	sst s0;
	s0 =	simm.s32 @!p2 $0x0  }
0x16: {  	s3 =	sld [smem:$0x3FDB];
	s0 =	simm.s32 @p2 $0x1  }
0x17: {  	s4 =	simm.s32 $0x1BF5;
	[smem:$0x3FB2] =	sst s0  }
0x18: {  	s0 =	sld [smem:$0x3F95];
	_ =	swait.ge [sflag:s4], $0x0  }
0x19: {  	s7 =	sld [smem:$0x3F96]  }
0x1a: {  	s8 =	sadd.s32 $0xFFFFE003, lr  }
0x1b: {  	s9 =	sadd.s32 $0xFFFFFEF7, lr;
	s5 =	simm.s32 $0xFFFFFFFF;
	p2 =	slt.u32 s8, $0xFFFFF086  }
0x1c: {  	p1 =	slt.u32 s9, $0xF7A;
	s5 =	simm.s32 @!p2 $0x0  }
0x1d: {  	s5 =	simm.s32 @p1 $0x1;
	p0 =	seq.s32 s7, s2  }
0x1e: {  	s7 =	smul.u32 @!p0 $0xF7A, s2;
	p2 =	seq.s32 @!p0 s5, $0x0  }
0x1f: {  	s9 =	smul.u32 $0xF7A, s1;
	s8 =	simm.s32 @!p0 $0x1BF5;
	p2 =	por !p2, p0  }
0x20: {  	[sflag:s8] =	ssyncset.s32 @!p0 $0xFFFFF086;
	s6 =	sadd.s32 @!p0 s3, s7;
	s7 =	simm.s32 @!p0 $0x108  }
0x21: {  	s3 =	sadd.s32 s3, s9;
	s6 =	sadd.s32 @!p0 $0x88, s6;
	s7 =	simm.s32 @p2 $0x1082  }
0x22: {  	[simem:s7], [sflag:s8] =	dma.local @!p0 [hbm:s6], $0xF7A  }
0x23: {  	s9 =	sor.u32 $0xD0000000, s2;
	s6 =	simm.s32 $0x108;
	_ =	swait.ge @!p0 [sflag:s8], $0x0  }
0x24: {  	s3 =	sadd.s32 $0x88, s3;
	s6 =	simm.s32 @!p1 $0x1082;
	[sflag:s4] =	ssyncset.s32 $0xFFFFF086  }
0x25: {  	[simem:s6], [sflag:s4] =	dma.local [hbm:s3], $0xF7A  }
0x26: {  	[smem:$0x3F96] =	sst s1;
	(tag) =	ssettag s2;
	_ =	strace s9  }
0x27: {  	s1 =	sld [smem:$0x3FA6]  }
0x28: {  	s2 =	sld [smem:$0x3FA7]  }
0x29: {  	s4 =	sld [smem:$0x3FA9]  }
0x2a: {  	p0 =	seq.s32 s5, $0x0;
	s5 =	sld [smem:$0x3FAA]  }
0x2b: {  	s6 =	sld [smem:$0x3FAB]  }
0x2c: {  	s7 =	sld [smem:$0x3FAC]  }
0x2d: {  	s3 =	simm.s32 $0x108;
	s8 =	sld [smem:$0x3FAD]  }
0x2e: {  	s3 =	simm.s32 @!p0 $0x1082;
	s9 =	sld [smem:$0x3FAE]  }
0x2f: {  	lr =	sadd.s32 s0, s3;
	s0 =	sld [smem:$0x3FA5]  }
0x30: {  	s3 =	sld [smem:$0x3FA8]  }
0x31: {  	[smem:$0x3FB1] =	sst s10  }
0x32: {  	s10 =	sld [smem:$0x3FAF];
	_ =	sdelay $0x3  }
0x33: {  	p0 =	seq.s32 s10, $0x1;
	s10 =	sld [smem:$0x3FB1];
	_ =	sdelay $0x3  }
0x34: {  	[smem:$0x3FB1] =	sst s10  }
0x35: {  	s10 =	sld [smem:$0x3FB0];
	_ =	sdelay $0x3  }
0x36: {  	p1 =	seq.s32 s10, $0x1;
	s10 =	sld [smem:$0x3FB1];
	_ =	sdelay $0x3  }
0x37: {  	[smem:$0x3FB1] =	sst s10  }
0x38: {  	s10 =	sld [smem:$0x3FB2]  }
0x39: {  	_ = 	snop;
	(pc) =	sbr.ind lr, $3  }
0x3a: {  	_ = 	snop  }
0x3b: {  	_ = 	snop  }
0x3c: {  	p2 =	seq.s32 s10, $0x1;
	s10 =	sld [smem:$0x3FB1]  }
0x3d: {  	_ =	shalt  }
0x3e: {  	_ =	shalt  }
0x3f: {  	_ =	shalt  }
0x40: {  	_ =	shalt  }
0x41: {  	_ =	shalt  }
0x42: {  	_ =	shalt  }
0x43: {  	_ =	shalt  }
0x44: {  	_ =	shalt  }
0x45: {  	_ =	shalt  }
0x46: {  	_ =	shalt  }
0x47: {  	_ =	shalt  }
0x48: {  	_ =	shalt  }
0x49: {  	_ =	shalt  }
0x4a: {  	_ =	shalt  }
0x4b: {  	_ =	shalt  }
0x4c: {  	_ =	shalt  }
0x4d: {  	_ =	shalt  }
0x4e: {  	_ =	shalt  }
0x4f: {  	_ =	shalt  }
0x50: {  	_ =	shalt  }
0x51: {  	_ =	shalt  }
0x52: {  	_ =	shalt  }
0x53: {  	_ =	shalt  }
0x54: {  	_ =	shalt  }
0x55: {  	_ =	shalt  }
0x56: {  	_ =	shalt  }
0x57: {  	_ =	shalt  }
0x58: {  	_ =	shalt  }
0x59: {  	_ =	shalt  }
0x5a: {  	_ =	shalt  }
0x5b: {  	_ =	shalt  }
0x5c: {  	_ =	shalt  }
0x5d: {  	_ =	shalt  }
0x5e: {  	_ =	shalt  }
0x5f: {  	_ =	shalt  }
0x60: {  	_ =	shalt  }
0x61: {  	_ =	shalt  }
0x62: {  	_ =	shalt  }
0x63: {  	_ =	shalt  }
0x64: {  	_ =	shalt  }
0x65: {  	_ =	shalt  }
0x66: {  	_ =	shalt  }
0x67: {  	_ =	shalt  }
0x68: {  	_ =	shalt  }
0x69: {  	_ =	shalt  }
0x6a: {  	_ =	shalt  }
0x6b: {  	_ =	shalt  }
0x6c: {  	_ =	shalt  }
0x6d: {  	_ =	shalt  }
0x6e: {  	_ =	shalt  }
0x6f: {  	_ =	shalt  }
0x70: {  	_ =	shalt  }
0x71: {  	_ =	shalt  }
0x72: {  	_ =	shalt  }
0x73: {  	_ =	shalt  }
0x74: {  	_ =	shalt  }
0x75: {  	_ =	shalt  }
0x76: {  	_ =	shalt  }
0x77: {  	_ =	shalt  }
0x78: {  	_ =	shalt  }
0x79: {  	_ =	shalt  }
0x7a: {  	_ =	shalt  }
0x7b: {  	_ =	shalt  }
0x7c: {  	_ =	shalt  }
0x7d: {  	_ =	shalt  }
0x7e: {  	_ =	shalt  }
0x7f: {  	_ =	shalt  }
0x80: {  	_ =	shalt  }
0x81: {  	_ =	shalt  }
0x82: {  	_ =	shalt  }
0x83: {  	_ =	shalt  }
0x84: {  	_ =	shalt  }
0x85: {  	_ =	shalt  }
0x86: {  	_ =	shalt  }
0x87: {  	_ =	shalt  }
.Lfunc_end0:
.L_simem_size_0:
called_computation.1_lowered:
.L_overlay_start_0:
0x88: {  	s2 =	sld [smem:$0x3FD9]  }
0x89: {  	s3 =	sld [smem:$0x3FFE];
	_ =	sdelay $0x1  }
0x8a: {  	s1 =	srdreg.scid  }
0x8b: {  	s0 =	sand.u32 $0x1, s1  }
0x8c: {  	s17 =	sshll.u32 s0, $0xA;
	s2 =	sadd.s32 s3, s2  }
0x8d: {  	s2 =	sadd.s32 s2, s17  }
0x8e: {  	[smem:$0x3FBD] =	sst s2  }
0x8f: {  	_ = 	snop  }
0x90: {  	s2 =	sld [smem:$0x3FD0];
	(tm) =	ssettm $0x1  }
0x91: {  	s18 =	sld [smem:$0x3FFB];
	_ =	sdelay $0x3  }
0x92: {  	_ =	strace s18  }
0x93: {  	s3 =	sld [smem:$0x3FFC];
	_ =	sdelay $0x3  }
0x94: {  	_ =	strace s3  }
0x95: {  	s3 =	sld [smem:$0x3FFD];
	_ =	sdelay $0x3  }
0x96: {  	_ =	strace s3  }
0x97: {  	_ =	strace $0x8FFFFFFF  }
0x98: {  	s19 =	sld [smem:$0x3FDB];
	_ =	sdelay $0x1  }
0x99: {  	s4 =	simm.s32 $_scs_section_size  }
0x9a: {  	s5 =	simm.s32 $_size__tile_overlayer_lowered;
	s6 =	simm.s32 $_tile_overlayer_lowered  }
0x9b: {  	s22 =	simm.s32 $0x1BFF;
	s21 =	sshll.u32 s6, $0x1;
	s3 =	sadd.s32 s4, s19  }
0x9c: {  	s7 =	simm.s32 $0x0;
	s20 =	sshll.u32 s5, $0x1;
	s5 =	sadd.s32 s21, s3  }
0x9d: {  	[timem:s7], [sflag:s22] =	dma.local [hbm:s5], s20  }
0x9e: {  	_ =	swait.ge [sflag:s22], s20  }
0x9f: {  	s4 =	ssub.s32 $0x0, s20;
	[sflag:s22] =	ssyncset.done $0x0  }
0xa0: {  	[sflag:s22] =	ssyncadd.s32 s4;
	_ =	sdelay $0x1  }
0xa1: {  	s23 =	simm.s32 $0x1B8B  }
0xa2: {  	_ =	swait.ge [sflag:s23], $0x1  }
0xa3: {  	[sflag:s23] =	ssyncset.done $0x0  }
0xa4: {  	s25 =	simm.s32 $0x1B8E;
	s24 =	sld [smem:$0x3FFE];
	[sflag:s23] =	ssyncadd.s32 $0xFFFFFFFF  }
0xa5: {  	s26 =	simm.s32 $execute0_lowered;
	[smem:$0x3FD2] =	sst s25  }
0xa6: {  	s5 =	sshll.u32 s26, $0x1;
	_ =	strace $0x80000049;
	[dreg:$0x1] =	wrdreg $0xFFFFFFFF  }
0xa7: {  	s28 =	simm.s32 $_size_execute0_lowered;
	s3 =	sadd.s32 s3, s5;
	[dreg:$0x0] =	wrdreg $0x0  }
0xa8: {  	s5 =	sshll.u32 s28, $0x1;
	[dreg:$0x2] =	wrdreg s3  }
0xa9: {  	[dreg:$0x3] =	wrdreg s5  }
0xaa: {  	[dreg:$0x4] =	wrdreg $0xC0  }
0xab: {  	_ =	task [dreg:s7], $0x5FFFF  }
0xac: {  	[dreg:$0x1] =	wrdreg $0xFFFFFFFF  }
0xad: {  	[dreg:$0x0] =	wrdreg $0x60  }
0xae: {  	[dreg:$0x2] =	wrdreg s24  }
0xaf: {  	[dreg:$0x3] =	wrdreg s2  }
0xb0: {  	[dreg:$0x4] =	wrdreg $0x9  }
0xb1: {  	_ =	task.clear_ibuf [dreg:s7], $0x5FFFF;
	_ =	strace $0x90000049  }
0xb2: {  	s29 =	simm.s32 $0x9;
	_ =	strace $0x8000004B  }
0xb3: {  	_ =	swait.ge [sflag:s29], $0x1  }
0xb4: {  	[sflag:s29] =	ssyncadd.s32 $0xFFFFFFFF  }
0xb5: {  	_ =	strace $0x9000004B  }
0xb6: {  	_ =	sfence  }
0xb7: {  	s30 =	sld [smem:$0x0];
	_ =	sdelay $0x2  }
0xb8: {  	s31 =	sshll.u32 s1, $0xD;
	s1 =	sshrl.u32 s1, $0x2  }
0xb9: {  	s3 =	sand.u32 $0x4000, s31;
	s1 =	sadd.s32 s1, s30  }
0xba: {  	s0 =	sor.u32 s3, s0;
	s1 =	sshll.u32 s1, $0x11  }
0xbb: {  	s0 =	sor.u32 s1, s0  }
0xbc: {  	s0 =	sadd.s32 $0x8F2B, s0  }
0xbd: {  	[sflag:s0] =	ssyncadd.remote.s32 $0x1  }
0xbe: {  	_ =	sfence.sel $0xFFFF  }
0xbf: {  	[dreg:$0x0] =	wrdreg $0xFFFFFFFF;
	(pc) =	sbr.abs _section_cstart, $3  }
0xc0: {  	[dreg:$0x1] =	wrdreg $0xFFFFFFFF  }
0xc1: {  	_ =	task.clear_ibuf [dreg:s7], $0x2FFFF;
	_ =	strace $0x9FFFFFFF  }
0xc2: {  	(tm) =	ssettm $0x7FFFFFFF  }
0xc3: {  	_ =	shalt  }
tec
execute0_lowered:
.L_overlay_start_1:
0x0: {  	(tag) =	ssettag $0x1  }
0x1: {  	s0 =	rddreg [dreg:$0x0]  }
0x2: {  	s5 =	rddreg [dreg:$0x1];
	s3 =	srdreg.scid  }
0x3: {  	s2 =	simm.s32 $0x0;
	s1 =	stileid.u32;
	s26 =	simm.s32 $0x880  }
0x4: {  	s10 =	simm.s32 $0x1880;
	s11 =	simm.s32 $0x2080;
	s12 =	simm.s32 $0x2880  }
0x5: {  	s13 =	simm.s32 $0x3080;
	s14 =	simm.s32 $0x3880;
	s15 =	simm.s32 $0x4080  }
0x6: {  	s16 =	simm.s32 $0x4880;
	s17 =	simm.s32 $0x5080;
	s18 =	simm.s32 $0x5880  }
0x7: {  	s19 =	simm.s32 $0x6080;
	s20 =	simm.s32 $0x6880;
	s21 =	simm.s32 $0x7080  }
0x8: {  	s22 =	simm.s32 $0x7880;
	s28 =	simm.s32 $0xA080;
	s29 =	simm.s32 $0xA880  }
0x9: {  	s30 =	simm.s32 $0xB080;
	s31 =	simm.s32 $0xB880;
	s3 =	sand.u32 $0x1, s3  }
0xa: {  	[smem:$0x7FF] =	sst s2;
	s4 =	sshll.u32 s1, $0x4;
	s6 =	sshll.u32 s3, $0x3  }
0xb: {  	_ =	strace $0x8000004A;
	s23 =	ssub.s32 $0x2, s3;
	s3 =	sadd.s32 $0x2600, s0  }
0xc: {  	[dreg:$0x5] =	wrdreg s26;
	s26 =	simm.s32 $0x9880;
	s4 =	sor.u32 s6, s4  }
0xd: {  	s8 =	sshrl.u32 s23, $0x1;
	s7 =	sadd.s32 s4, s0;
	s9 =	smul.u32 $0x300, s4  }
0xe: {  	s6 =	ssub.s32 s23, s8;
	s4 =	sadd.s32 $0x2700, s0;
	s8 =	simm.s32 $0x80  }
0xf: {  	s23 =	simm.s32 $0x8080;
	s24 =	sadd.s32 $0x2400, s7;
	s6 =	smax.u32 s6, $0x1  }
0x10: {  	v2 =	vlaneseq.u32;
	s7 =	simm.s32 $0x2;
	[dreg:$0x3] =	wrdreg s24;
	s25 =	sadd.s32 s5, s9  }
0x11: {  	vm0 =	vmmov $0xffff;
	v1 =	vshrl.u32 v2, $0x3;
	s5 =	sadd.s32 $0x2800, s0;
	s9 =	simm.s32 $0x1080;
	s24 =	simm.s32 $0x8880  }
0x12: {  	v0 =	vand.u32 $0x7, v2;
	v2 =	vor.u32 $0x8, v2;
	v1 =	vmul.u32 $0x8, v1;
	s0 =	simm.s32 $0x1;
	[dreg:$0x4] =	wrdreg s25;
	s25 =	simm.s32 $0x9080  }
.LBB2_1:
0x13: {  	s1 =	rddreg [dreg:$0x3]  }
0x14: {  	[tilespmem:s2], [sflag:$0x2] =	stream.linear.gather [hbm4b:s1+s2], $0x40, $0x38;
	[tilespmem:$0xC080] =	vst v63  }
0x15: {  	_ =	swait.ge [sflag:s7], $0x40  }
0x16: {  	[sflag:s7] =	ssyncset.done $0x0  }
0x17: {  	[sflag:s7] =	ssyncadd.s32 $0xFFFFFFC0  }
0x18: {  	v3 =	vld [tilespmem:$0x0];
	_ =	sdelay $0x4  }
0x19: {  	v4 =	vshrl.u32 v3, $0x3  }
0x1a: {  	v4 =	vmul.u32 $0x30, v4  }
0x1b: {  	v3 =	vand.u32 $0x7, v3  }
0x1c: {  	v3 =	vor.u32 v3, v4  }
0x1d: {  	v4 =	vperm.xlane v3, v0;
	_ =	sdelay $0x1  }
0x1e: {  	v4 =	vadd.s32 v1, v4;
	_ =	sdelay $0x3  }
0x1f: {  	v3 =	vperm.xlane v3, v2  }
0x20: {  	[tilespmem:s8], [sflag:$0x1] =	stream.indirect_vreg.gather [hbm4b:s3+s2], $0x80, v4, vm0, $0xb8;
	[tilespmem:$0xC080] =	vst v63  }
0x21: {  	s1 =	rddreg [dreg:$0x5];
	v3 =	vadd.s32 v1, v3  }
0x22: {  	[tilespmem:s1], [sflag:$0x1] =	stream.indirect_vreg.gather [hbm4b:s4+s2], $0x80, v4, vm0, $0xb8;
	[tilespmem:$0xC080] =	vst v63  }
0x23: {  	_ = 	snop  }
0x24: {  	[tilespmem:s9], [sflag:$0x1] =	stream.indirect_vreg.gather [hbm4b:s5+s2], $0x80, v4, vm0, $0xb8;
	[tilespmem:$0xC080] =	vst v63  }
0x25: {  	_ = 	snop  }
0x26: {  	[tilespmem:s10], [sflag:$0x1] =	stream.indirect_vreg.gather [hbm4b:s3+s2], $0x80, v3, vm0, $0xb8;
	[tilespmem:$0xC080] =	vst v63  }
0x27: {  	_ = 	snop  }
0x28: {  	[tilespmem:s11], [sflag:$0x1] =	stream.indirect_vreg.gather [hbm4b:s4+s2], $0x80, v3, vm0, $0xb8;
	[tilespmem:$0xC080] =	vst v63  }
0x29: {  	_ = 	snop  }
0x2a: {  	[tilespmem:s12], [sflag:$0x1] =	stream.indirect_vreg.gather [hbm4b:s5+s2], $0x80, v3, vm0, $0xb8;
	[tilespmem:$0xC080] =	vst v63  }
0x2b: {  	v3 =	vld [tilespmem:$0x10];
	_ =	sdelay $0x4  }
0x2c: {  	v61 =	vshrl.u32 v3, $0x3  }
0x2d: {  	v4 =	vmul.u32 $0x30, v61  }
0x2e: {  	v3 =	vand.u32 $0x7, v3  }
0x2f: {  	v3 =	vor.u32 v3, v4  }
0x30: {  	v4 =	vperm.xlane v3, v0;
	_ =	sdelay $0x1  }
0x31: {  	v4 =	vadd.s32 v1, v4;
	_ =	sdelay $0x3  }
0x32: {  	v3 =	vperm.xlane v3, v2  }
0x33: {  	[tilespmem:s13], [sflag:$0x1] =	stream.indirect_vreg.gather [hbm4b:s3+s2], $0x80, v4, vm0, $0xb8;
	[tilespmem:$0xC080] =	vst v63  }
0x34: {  	v3 =	vadd.s32 v1, v3  }
0x35: {  	[tilespmem:s14], [sflag:$0x1] =	stream.indirect_vreg.gather [hbm4b:s4+s2], $0x80, v4, vm0, $0xb8;
	[tilespmem:$0xC080] =	vst v63  }
0x36: {  	_ = 	snop  }
0x37: {  	[tilespmem:s15], [sflag:$0x1] =	stream.indirect_vreg.gather [hbm4b:s5+s2], $0x80, v4, vm0, $0xb8;
	[tilespmem:$0xC080] =	vst v63  }
0x38: {  	_ = 	snop  }
0x39: {  	[tilespmem:s16], [sflag:$0x1] =	stream.indirect_vreg.gather [hbm4b:s3+s2], $0x80, v3, vm0, $0xb8;
	[tilespmem:$0xC080] =	vst v63  }
0x3a: {  	_ = 	snop  }
0x3b: {  	[tilespmem:s17], [sflag:$0x1] =	stream.indirect_vreg.gather [hbm4b:s4+s2], $0x80, v3, vm0, $0xb8;
	[tilespmem:$0xC080] =	vst v63  }
0x3c: {  	_ = 	snop  }
0x3d: {  	[tilespmem:s18], [sflag:$0x1] =	stream.indirect_vreg.gather [hbm4b:s5+s2], $0x80, v3, vm0, $0xb8;
	[tilespmem:$0xC080] =	vst v63  }
0x3e: {  	v3 =	vld [tilespmem:$0x20];
	_ =	sdelay $0x4  }
0x3f: {  	v62 =	vshrl.u32 v3, $0x3  }
0x40: {  	v4 =	vmul.u32 $0x30, v62  }
0x41: {  	v3 =	vand.u32 $0x7, v3  }
0x42: {  	v3 =	vor.u32 v3, v4  }
0x43: {  	v4 =	vperm.xlane v3, v0;
	_ =	sdelay $0x1  }
0x44: {  	v4 =	vadd.s32 v1, v4;
	_ =	sdelay $0x3  }
0x45: {  	v3 =	vperm.xlane v3, v2  }
0x46: {  	[tilespmem:s19], [sflag:$0x1] =	stream.indirect_vreg.gather [hbm4b:s3+s2], $0x80, v4, vm0, $0xb8;
	[tilespmem:$0xC080] =	vst v63  }
0x47: {  	v3 =	vadd.s32 v1, v3  }
0x48: {  	[tilespmem:s20], [sflag:$0x1] =	stream.indirect_vreg.gather [hbm4b:s4+s2], $0x80, v4, vm0, $0xb8;
	[tilespmem:$0xC080] =	vst v63  }
0x49: {  	_ = 	snop  }
0x4a: {  	[tilespmem:s21], [sflag:$0x1] =	stream.indirect_vreg.gather [hbm4b:s5+s2], $0x80, v4, vm0, $0xb8;
	[tilespmem:$0xC080] =	vst v63  }
0x4b: {  	_ = 	snop  }
0x4c: {  	[tilespmem:s22], [sflag:$0x1] =	stream.indirect_vreg.gather [hbm4b:s3+s2], $0x80, v3, vm0, $0xb8;
	[tilespmem:$0xC080] =	vst v63  }
0x4d: {  	_ = 	snop  }
0x4e: {  	[tilespmem:s23], [sflag:$0x1] =	stream.indirect_vreg.gather [hbm4b:s4+s2], $0x80, v3, vm0, $0xb8;
	[tilespmem:$0xC080] =	vst v63  }
0x4f: {  	_ = 	snop  }
0x50: {  	[tilespmem:s24], [sflag:$0x1] =	stream.indirect_vreg.gather [hbm4b:s5+s2], $0x80, v3, vm0, $0xb8;
	[tilespmem:$0xC080] =	vst v63  }
0x51: {  	v3 =	vld [tilespmem:$0x30];
	_ =	sdelay $0x4  }
0x52: {  	v63 =	vshrl.u32 v3, $0x3  }
0x53: {  	v4 =	vmul.u32 $0x30, v63  }
0x54: {  	v3 =	vand.u32 $0x7, v3  }
0x55: {  	v3 =	vor.u32 v3, v4  }
0x56: {  	v4 =	vperm.xlane v3, v0;
	_ =	sdelay $0x1  }
0x57: {  	v4 =	vadd.s32 v1, v4;
	_ =	sdelay $0x3  }
0x58: {  	v3 =	vperm.xlane v3, v2  }
0x59: {  	[tilespmem:s25], [sflag:$0x1] =	stream.indirect_vreg.gather [hbm4b:s3+s2], $0x80, v4, vm0, $0xb8;
	[tilespmem:$0xC080] =	vst v63  }
0x5a: {  	v3 =	vadd.s32 v1, v3  }
0x5b: {  	[tilespmem:s26], [sflag:$0x1] =	stream.indirect_vreg.gather [hbm4b:s4+s2], $0x80, v4, vm0, $0xb8;
	[tilespmem:$0xC080] =	vst v63  }
0x5c: {  	_ = 	snop  }
0x5d: {  	[tilespmem:s28], [sflag:$0x1] =	stream.indirect_vreg.gather [hbm4b:s5+s2], $0x80, v4, vm0, $0xb8;
	[tilespmem:$0xC080] =	vst v63  }
0x5e: {  	_ = 	snop  }
0x5f: {  	[tilespmem:s29], [sflag:$0x1] =	stream.indirect_vreg.gather [hbm4b:s3+s2], $0x80, v3, vm0, $0xb8;
	[tilespmem:$0xC080] =	vst v63  }
0x60: {  	_ = 	snop  }
0x61: {  	[tilespmem:s30], [sflag:$0x1] =	stream.indirect_vreg.gather [hbm4b:s4+s2], $0x80, v3, vm0, $0xb8;
	[tilespmem:$0xC080] =	vst v63  }
0x62: {  	_ = 	snop  }
0x63: {  	[tilespmem:s31], [sflag:$0x1] =	stream.indirect_vreg.gather [hbm4b:s5+s2], $0x80, v3, vm0, $0xb8;
	[tilespmem:$0xC080] =	vst v63  }
0x64: {  	_ =	swait.ge [sflag:s0], $0xC000  }
0x65: {  	p0 =	sne.s32 s6, $0x1;
	[sflag:s0] =	ssyncset.done $0x0  }
.Ltmp0:
0x66: {  	s1 =	rddreg [dreg:$0x4];
	[sflag:s0] =	ssyncadd.s32 $0xFFFF4000;
	(pc) =	sbr.rel @p0 .LBB2_1-.Ltmp0, $4  }
0x67: {  	[hbm4b:s1+s2] =	stream.linear.scatter [tilespmem:s8], [sflag:$0x2], $0xC000, $0x38;
	[tilespmem:$0xC080] =	vst v63  }
0x68: {  	_ =	swait.ge [sflag:s7], $0xC000  }
0x69: {  	[sflag:s7] =	ssyncset.done $0x0  }
0x6a: {  	s6 =	sadd.s32 $0xFFFFFFFF, s6;
	[sflag:s7] =	ssyncadd.s32 $0xFFFF4000  }
0x6b: {  	_ =	sfence.sel $0x180000  }
0x6c: {  	[bflag:$0x0] =	sbarrier.arrive $0xFFFF  }
0x6d: {  	_ =	strace $0x9000004A  }
0x6e: {  	s0 =	stileid.u32;
	[bflag:$0x2] =	sbarrier.arrive $0xFFFF  }
0x6f: {  	p0 =	sne.s32 s0, $0x0;
	s0 =	rddreg [dreg:$0x2]  }
0x70: {  	s0 =	sadd.s32 @!p0 $0x100000, s0  }
0x71: {  	[sflag:s0] =	ssyncadd.tile.s32 @!p0 $0x1;
	_ =	shalt  }
.Lfunc_end2:
_tile_overlayer_lowered:
.L_overlay_start_2:
0x72: {  	(tag) =	ssettag $0x2  }
0x73: {  	s0 =	rddreg [dreg:$0x0];
	s2 =	stileid.u32  }
0x74: {  	s1 =	rddreg [dreg:$0x1];
	p0 =	sne.s32 s2, $0x0  }
0x75: {  	s3 =	rddreg [dreg:$0x2];
	[bflag:$0x3] =	sbarrier.arrive $0xFFFF;
	s2 =	simm.s32 @!p0 $0x1C02  }
0x76: {  	[timem:s3], [sflag:s2] =	dma.local @!p0 [hbm:s0], s1  }
0x77: {  	s0 =	simm.s32 @!p0 $0x2  }
0x78: {  	_ =	swait.ge @!p0 [sflag:s0], s1  }
0x79: {  	s1 =	ssub.s32 @!p0 $0x0, s1;
	[sflag:s0] =	ssyncset.done @!p0 $0x0  }
0x7a: {  	[sflag:s0] =	ssyncadd.s32 @!p0 s1  }
0x7b: {  	[bflag:$0x3] =	sbarrier.arrive $0xFFFF  }
0x7c: {  	_ =	shalt  }

</sc_bundles>
